<compile_context>
chip_gen: v7x
topology: tpu7x:2x2x1
jax: 0.10.2.dev20260603
libtpu: 0.0.44.dev20260713+nightly
codegen_flags: <defaults>
</compile_context>

<pallas_src>
import functools

import jax
import jax.numpy as jnp
from jax import lax
from jax.experimental import pallas as pl
from jax.experimental.pallas import tpu as pltpu
from jax.experimental.pallas import tpu_sc as plsc

NUM_Q = 4
HID = 1024
CB = 8192
SUB = HID // NUM_Q
EPS = 1e-05
B, T = 4, 2048
BT = B * T

TM = 512
NT = BT // TM
KC = 2048
NKC = CB // KC

NC, NS, L = 2, 16, 16
NW = NC * NS
ROWS_TOTAL = BT * NUM_Q
ROWS_PER_W = ROWS_TOTAL // NW
CHUNK = 128
N_CHUNKS = ROWS_PER_W // CHUNK

TM_NORM = 512


def _dist_body(hq_ref, cb_ref, idx_ref, c2_ref):
    t = pl.program_id(1)

    @pl.when(t == 0)
    def _():
        for kc in range(NKC):
            cbc = cb_ref[0, kc * KC:(kc + 1) * KC, :]
            c2_ref[kc * KC:(kc + 1) * KC, :] = jnp.sum(cbc * cbc, axis=1,
                                                       keepdims=True)

    hqm2 = hq_ref[...] * -2.0
    best = None
    bidx = None
    for kc in range(NKC):
        cbc = cb_ref[0, kc * KC:(kc + 1) * KC, :]
        xc = lax.dot_general(cbc, hqm2, (((1,), (1,)), ((), ())),
                             preferred_element_type=jnp.float32,
                             precision=lax.Precision.DEFAULT)
        scores = c2_ref[kc * KC:(kc + 1) * KC, :] + xc
        m = jnp.min(scores, axis=0, keepdims=True)
        ii = (jnp.argmin(scores, axis=0).astype(jnp.int32)
              + kc * KC).reshape(1, TM)
        if best is None:
            best, bidx = m, ii
        else:
            upd = m < best
            bidx = jnp.where(upd, ii, bidx)
            best = jnp.where(upd, m, best)
    idx_ref[0, 0, :] = bidx[0]


def _dist(h2d, codebooks):
    return pl.pallas_call(
        _dist_body,
        grid=(NUM_Q, NT),
        in_specs=[
            pl.BlockSpec((TM, SUB), lambda q, t: (t, q)),
            pl.BlockSpec((1, CB, SUB), lambda q, t: (q, 0, 0)),
        ],
        out_specs=pl.BlockSpec((1, 1, TM), lambda q, t: (q, 0, t)),
        out_shape=jax.ShapeDtypeStruct((NUM_Q, 1, BT), jnp.int32),
        scratch_shapes=[pltpu.VMEM((CB, 1), jnp.float32)],
    )(h2d, codebooks)


def _sc_gather_body(table_hbm, idx_hbm, out_hbm, idx_v, rows_v, sem):
    wid = lax.axis_index("s") * NC + lax.axis_index("c")
    base = wid * ROWS_PER_W
    offs = (lax.iota(jnp.int32, L) & (NUM_Q - 1)) * CB
    for c in range(N_CHUNKS):
        off = base + c * CHUNK
        pltpu.sync_copy(idx_hbm.at[pl.ds(off, CHUNK)], idx_v)
        for j in range(CHUNK // L):
            sl = pl.ds(j * L, L)
            idx_v[sl] = idx_v[sl] + offs
        pltpu.async_copy(table_hbm.at[idx_v], rows_v, sem).wait()
        pltpu.sync_copy(rows_v, out_hbm.at[pl.ds(off, CHUNK)])


def _sc_gather(table, idx_flat):
    mesh = plsc.VectorSubcoreMesh(core_axis_name="c", subcore_axis_name="s")
    k = functools.partial(
        pl.kernel,
        mesh=mesh,
        out_type=jax.ShapeDtypeStruct((ROWS_TOTAL, SUB), jnp.float32),
        scratch_types=[
            pltpu.VMEM((CHUNK,), jnp.int32),
            pltpu.VMEM((CHUNK, SUB), jnp.float32),
            pltpu.SemaphoreType.DMA,
        ],
    )(_sc_gather_body)
    return k(table, idx_flat)


def _rms_body(qz_ref, w_ref, o_ref):
    qv = qz_ref[...]
    v = jnp.mean(qv * qv, axis=1, keepdims=True)
    o_ref[...] = qv * lax.rsqrt(v + EPS) * w_ref[...]


def _rms(arr2d, w2d):
    return pl.pallas_call(
        _rms_body,
        grid=(BT // TM_NORM,),
        in_specs=[
            pl.BlockSpec((TM_NORM, HID), lambda t: (t, 0)),
            pl.BlockSpec((1, HID), lambda t: (0, 0)),
        ],
        out_specs=pl.BlockSpec((TM_NORM, HID), lambda t: (t, 0)),
        out_shape=jax.ShapeDtypeStruct((BT, HID), jnp.float32),
    )(arr2d, w2d)


def kernel(x, w_in, codebooks, w_out):
    x2d = x.reshape(BT, HID)
    w_in2d = w_in.reshape(1, HID)
    w_out2d = w_out.reshape(1, HID)

    h2d = _rms(x2d, w_in2d)
    idx_qt = _dist(h2d, codebooks).reshape(NUM_Q, BT)
    idx_tq = idx_qt.T
    idx_flat = idx_tq.reshape(ROWS_TOTAL)

    table = codebooks.reshape(NUM_Q * CB, SUB)
    rows = _sc_gather(table, idx_flat)

    out2d = _rms(rows.reshape(BT, HID), w_out2d)
    return out2d.reshape(B, T, HID), idx_tq.reshape(B, T, NUM_Q)

# --- scband reference (transcript-rebuilt; emitter-appended) ---
"""Pipeline reference for scband-video-quantizer-7541962572023 (READ-ONLY COPY).

The authoritative reference and input builder live on the scoring server;
editing this copy changes nothing except your own understanding.
"""

import jax, jax.numpy as jnp
import numpy as np

NUM_Q = 4
HID = 1024
CB = 8192
SUB = HID // NUM_Q
EPS = 1e-05
B, T = 4, 2048


def setup_inputs(seed: int = 0) -> dict:
    key = jax.random.key(seed)
    k1, k2 = jax.random.split(key, 2)
    x = jax.random.normal(k1, (B, T, HID), dtype=jnp.float32)
    w_in = jnp.ones((HID,), dtype=jnp.float32)
    w_out = jnp.ones((HID,), dtype=jnp.float32)
    # temporal codebooks: num_quantizers embeddings of [codebook_size, hidden_dim // num_quantizers]
    codebooks = jax.random.normal(k2, (NUM_Q, CB, SUB), dtype=jnp.float32)
    return {"x": x, "w_in": w_in, "codebooks": codebooks, "w_out": w_out}


def _rmsnorm(x, w, eps=EPS):
    v = jnp.mean(x * x, axis=-1, keepdims=True)
    return x * jax.lax.rsqrt(v + eps) * w


def reference(x, w_in, codebooks, w_out):
    # input_norm
    h = _rmsnorm(x, w_in)
    b, t, d = h.shape
    hq = h.reshape(b, t, NUM_Q, SUB)  # 'b t (q d) -> b t q d'
    outs = []
    idxs = []
    for i in range(NUM_Q):
        xi = hq[:, :, i, :]                       # [B, T, SUB]
        cb = codebooks[i]                          # [CB, SUB]
        # torch.cdist (euclidean)
        x2 = jnp.sum(xi * xi, axis=-1, keepdims=True)          # [B, T, 1]
        c2 = jnp.sum(cb * cb, axis=-1)                          # [CB]
        xc = jnp.einsum('btd,kd->btk', xi, cb)                  # [B, T, CB]
        d2 = jnp.maximum(x2 + c2[None, None, :] - 2.0 * xc, 0.0)
        dist = jnp.sqrt(d2)
        idx = jnp.argmin(dist, axis=-1)                         # [B, T]
        idxs.append(idx)
        outs.append(jnp.take(cb, idx, axis=0))                  # embedding lookup -> [B, T, SUB]
    quantized = jnp.concatenate(outs, axis=-1)                  # [B, T, HID]
    indices = jnp.stack(idxs, axis=-1)                          # [B, T, NUM_Q]
    out = _rmsnorm(quantized, w_out)                            # temporal_output_norm
    return out, indices

if __name__ == "__main__":
    import jax
    _d = setup_inputs()
    print(jax.jit(kernel)(*tuple(_d.values())))

</pallas_src>

<mosaic_0001>
#map = affine_map<(d0, d1) -> (0, 0)>
#map1 = affine_map<(d0, d1) -> (0)>
module attributes {stable_mosaic.version = 14 : i64} {
  func.func @_sc_gather_body(%arg0: i32, %arg1: i32, %arg2: memref<32768x256xf32, #tpu.memory_space<hbm>>, %arg3: memref<32768xi32, #tpu.memory_space<hbm>>, %arg4: memref<32768x256xf32, #tpu.memory_space<hbm>>, %arg5: memref<128xi32, #tpu.memory_space<vmem>>, %arg6: memref<128x256xf32, #tpu.memory_space<vmem>>, %arg7: memref<!tpu.dma_semaphore, #tpu.memory_space<semaphore_mem>>) attributes {dimension_semantics = [#tpu.dimension_semantics<core_parallel>, #tpu.dimension_semantics<subcore_parallel>], iteration_bounds = array<i64: 2, 16>, scalar_prefetch = 0 : i64, scratch_operands = 3 : i64, tpu.core_type = #tpu.core_type<sc_vector_subcore>, window_params = [{transform_indices = #map}, {transform_indices = #map1}, {transform_indices = #map}]} {
    %mul3A = arith.constant 2 : i32
    %mul3A_0 = arith.muli %arg1, %mul3A : i32
    %add3A = arith.addi %mul3A_0, %arg0 : i32
    %mul3A_1 = arith.constant 1024 : i32
    %mul3A_2 = arith.muli %add3A, %mul3A_1 : i32
    %iota3A = tpu.iota {dimensions = array<i32: 0>} : vector<16xi32>
    %and3A = arith.constant 3 : i32
    %and3A_3 = vector.broadcast %and3A : i32 to vector<16xi32>
    %and3A_4 = arith.andi %iota3A, %and3A_3 : vector<16xi32>
    %mul3A_5 = arith.constant 8192 : i32
    %mul3A_6 = vector.broadcast %mul3A_5 : i32 to vector<16xi32>
    %mul3A_7 = arith.muli %and3A_4, %mul3A_6 : vector<16xi32>
    %add3A_8 = arith.constant 0 : i32
    %add3A_9 = arith.addi %mul3A_2, %add3A_8 : i32
    "tpu.region"() ({
      %run_scoped3A = tpu.sem_alloc : memref<!tpu.dma_semaphore, #tpu.memory_space<semaphore_mem>>
      %dma_start3A_580 = tpu.memref_slice %arg3[%add3A_9] : memref<32768xi32, #tpu.memory_space<hbm>> -> memref<128xi32, #tpu.memory_space<hbm>>
      %dma_start3A_581 = tpu.memref_slice %arg3[%add3A_9] : memref<32768xi32, #tpu.memory_space<hbm>> -> memref<128xi32, #tpu.memory_space<hbm>>
      tpu.enqueue_dma source(%dma_start3A_581 : memref<128xi32, #tpu.memory_space<hbm>>) target(%arg5 : memref<128xi32, #tpu.memory_space<vmem>>) target_semaphore(%run_scoped3A : memref<!tpu.dma_semaphore, #tpu.memory_space<semaphore_mem>>)
      %dma_wait3A_582 = tpu.memref_slice %arg3[%add3A_9] : memref<32768xi32, #tpu.memory_space<hbm>> -> memref<128xi32, #tpu.memory_space<hbm>>
      %dma_wait3A_583 = tpu.memref_slice %arg3[%add3A_9] : memref<32768xi32, #tpu.memory_space<hbm>> -> memref<128xi32, #tpu.memory_space<hbm>>
      tpu.wait_dma2 semaphore(%run_scoped3A : memref<!tpu.dma_semaphore, #tpu.memory_space<semaphore_mem>>) src(%dma_wait3A_583 : memref<128xi32, #tpu.memory_space<hbm>>) dst(%arg5 : memref<128xi32, #tpu.memory_space<vmem>>)
      tpu.yield
    }) : () -> ()
    %get3A = arith.constant 0 : index
    %get3A_10 = tpu.vector_load %arg5[%get3A] {strides = array<i32>} : memref<128xi32, #tpu.memory_space<vmem>>, vector<16xi32>,
    %get3A_11 = vector.shape_cast %get3A_10 : vector<16xi32> to vector<16xi32>
    %add3A_12 = arith.addi %get3A_11, %mul3A_7 : vector<16xi32>
    %swap3A = arith.constant 0 : index
    %swap3A_13 = tpu.vector_load %arg5[%swap3A] {strides = array<i32>} : memref<128xi32, #tpu.memory_space<vmem>>, vector<16xi32>,
    %swap3A_14 = vector.shape_cast %swap3A_13 : vector<16xi32> to vector<16xi32>
    %swap3A_15 = vector.shape_cast %add3A_12 : vector<16xi32> to vector<16xi32>
    tpu.vector_store %arg5[%swap3A], %swap3A_15 {strides = array<i32>} : memref<128xi32, #tpu.memory_space<vmem>>, vector<16xi32>,
    %get3A_16 = arith.constant 16 : index
    %get3A_17 = tpu.vector_load %arg5[%get3A_16] {strides = array<i32>} : memref<128xi32, #tpu.memory_space<vmem>>, vector<16xi32>,
    %get3A_18 = vector.shape_cast %get3A_17 : vector<16xi32> to vector<16xi32>
    %add3A_19 = arith.addi %get3A_18, %mul3A_7 : vector<16xi32>
    %swap3A_20 = arith.constant 16 : index
    %swap3A_21 = tpu.vector_load %arg5[%swap3A_20] {strides = array<i32>} : memref<128xi32, #tpu.memory_space<vmem>>, vector<16xi32>,
    %swap3A_22 = vector.shape_cast %swap3A_21 : vector<16xi32> to vector<16xi32>
    %swap3A_23 = vector.shape_cast %add3A_19 : vector<16xi32> to vector<16xi32>
    tpu.vector_store %arg5[%swap3A_20], %swap3A_23 {strides = array<i32>} : memref<128xi32, #tpu.memory_space<vmem>>, vector<16xi32>,
    %get3A_24 = arith.constant 32 : index
    %get3A_25 = tpu.vector_load %arg5[%get3A_24] {strides = array<i32>} : memref<128xi32, #tpu.memory_space<vmem>>, vector<16xi32>,
    %get3A_26 = vector.shape_cast %get3A_25 : vector<16xi32> to vector<16xi32>
    %add3A_27 = arith.addi %get3A_26, %mul3A_7 : vector<16xi32>
    %swap3A_28 = arith.constant 32 : index
    %swap3A_29 = tpu.vector_load %arg5[%swap3A_28] {strides = array<i32>} : memref<128xi32, #tpu.memory_space<vmem>>, vector<16xi32>,
    %swap3A_30 = vector.shape_cast %swap3A_29 : vector<16xi32> to vector<16xi32>
    %swap3A_31 = vector.shape_cast %add3A_27 : vector<16xi32> to vector<16xi32>
    tpu.vector_store %arg5[%swap3A_28], %swap3A_31 {strides = array<i32>} : memref<128xi32, #tpu.memory_space<vmem>>, vector<16xi32>,
    %get3A_32 = arith.constant 48 : index
    %get3A_33 = tpu.vector_load %arg5[%get3A_32] {strides = array<i32>} : memref<128xi32, #tpu.memory_space<vmem>>, vector<16xi32>,
    %get3A_34 = vector.shape_cast %get3A_33 : vector<16xi32> to vector<16xi32>
    %add3A_35 = arith.addi %get3A_34, %mul3A_7 : vector<16xi32>
    %swap3A_36 = arith.constant 48 : index
    %swap3A_37 = tpu.vector_load %arg5[%swap3A_36] {strides = array<i32>} : memref<128xi32, #tpu.memory_space<vmem>>, vector<16xi32>,
    %swap3A_38 = vector.shape_cast %swap3A_37 : vector<16xi32> to vector<16xi32>
    %swap3A_39 = vector.shape_cast %add3A_35 : vector<16xi32> to vector<16xi32>
    tpu.vector_store %arg5[%swap3A_36], %swap3A_39 {strides = array<i32>} : memref<128xi32, #tpu.memory_space<vmem>>, vector<16xi32>,
    %get3A_40 = arith.constant 64 : index
    %get3A_41 = tpu.vector_load %arg5[%get3A_40] {strides = array<i32>} : memref<128xi32, #tpu.memory_space<vmem>>, vector<16xi32>,
    %get3A_42 = vector.shape_cast %get3A_41 : vector<16xi32> to vector<16xi32>
    %add3A_43 = arith.addi %get3A_42, %mul3A_7 : vector<16xi32>
    %swap3A_44 = arith.constant 64 : index
    %swap3A_45 = tpu.vector_load %arg5[%swap3A_44] {strides = array<i32>} : memref<128xi32, #tpu.memory_space<vmem>>, vector<16xi32>,
    %swap3A_46 = vector.shape_cast %swap3A_45 : vector<16xi32> to vector<16xi32>
    %swap3A_47 = vector.shape_cast %add3A_43 : vector<16xi32> to vector<16xi32>
    tpu.vector_store %arg5[%swap3A_44], %swap3A_47 {strides = array<i32>} : memref<128xi32, #tpu.memory_space<vmem>>, vector<16xi32>,
    %get3A_48 = arith.constant 80 : index
    %get3A_49 = tpu.vector_load %arg5[%get3A_48] {strides = array<i32>} : memref<128xi32, #tpu.memory_space<vmem>>, vector<16xi32>,
    %get3A_50 = vector.shape_cast %get3A_49 : vector<16xi32> to vector<16xi32>
    %add3A_51 = arith.addi %get3A_50, %mul3A_7 : vector<16xi32>
    %swap3A_52 = arith.constant 80 : index
    %swap3A_53 = tpu.vector_load %arg5[%swap3A_52] {strides = array<i32>} : memref<128xi32, #tpu.memory_space<vmem>>, vector<16xi32>,
    %swap3A_54 = vector.shape_cast %swap3A_53 : vector<16xi32> to vector<16xi32>
    %swap3A_55 = vector.shape_cast %add3A_51 : vector<16xi32> to vector<16xi32>
    tpu.vector_store %arg5[%swap3A_52], %swap3A_55 {strides = array<i32>} : memref<128xi32, #tpu.memory_space<vmem>>, vector<16xi32>,
    %get3A_56 = arith.constant 96 : index
    %get3A_57 = tpu.vector_load %arg5[%get3A_56] {strides = array<i32>} : memref<128xi32, #tpu.memory_space<vmem>>, vector<16xi32>,
    %get3A_58 = vector.shape_cast %get3A_57 : vector<16xi32> to vector<16xi32>
    %add3A_59 = arith.addi %get3A_58, %mul3A_7 : vector<16xi32>
    %swap3A_60 = arith.constant 96 : index
    %swap3A_61 = tpu.vector_load %arg5[%swap3A_60] {strides = array<i32>} : memref<128xi32, #tpu.memory_space<vmem>>, vector<16xi32>,
    %swap3A_62 = vector.shape_cast %swap3A_61 : vector<16xi32> to vector<16xi32>
    %swap3A_63 = vector.shape_cast %add3A_59 : vector<16xi32> to vector<16xi32>
    tpu.vector_store %arg5[%swap3A_60], %swap3A_63 {strides = array<i32>} : memref<128xi32, #tpu.memory_space<vmem>>, vector<16xi32>,
    %get3A_64 = arith.constant 112 : index
    %get3A_65 = tpu.vector_load %arg5[%get3A_64] {strides = array<i32>} : memref<128xi32, #tpu.memory_space<vmem>>, vector<16xi32>,
    %get3A_66 = vector.shape_cast %get3A_65 : vector<16xi32> to vector<16xi32>
    %add3A_67 = arith.addi %get3A_66, %mul3A_7 : vector<16xi32>
    %swap3A_68 = arith.constant 112 : index
    %swap3A_69 = tpu.vector_load %arg5[%swap3A_68] {strides = array<i32>} : memref<128xi32, #tpu.memory_space<vmem>>, vector<16xi32>,
    %swap3A_70 = vector.shape_cast %swap3A_69 : vector<16xi32> to vector<16xi32>
    %swap3A_71 = vector.shape_cast %add3A_67 : vector<16xi32> to vector<16xi32>
    tpu.vector_store %arg5[%swap3A_68], %swap3A_71 {strides = array<i32>} : memref<128xi32, #tpu.memory_space<vmem>>, vector<16xi32>,
    %dma_start3A = arith.constant 0 : i32
    %dma_start3A_72 = arith.constant 0 : i32
    %dma_start3A_73 = tpu.memref_slice %arg2[%dma_start3A, %dma_start3A_72] : memref<32768x256xf32, #tpu.memory_space<hbm>> -> memref<32768x256xf32, #tpu.memory_space<hbm>>
    tpu.enqueue_indirect_dma source(%dma_start3A_73 : memref<32768x256xf32, #tpu.memory_space<hbm>>) target(%arg6 : memref<128x256xf32, #tpu.memory_space<vmem>>) offsets(%arg5 : memref<128xi32, #tpu.memory_space<vmem>>) semaphore(%arg7 : memref<!tpu.dma_semaphore, #tpu.memory_space<semaphore_mem>>)
    %dma_wait3A = arith.constant 0 : i32
    %dma_wait3A_74 = arith.constant 0 : i32
    %dma_wait3A_75 = tpu.memref_slice %arg2[%dma_wait3A, %dma_wait3A_74] : memref<32768x256xf32, #tpu.memory_space<hbm>> -> memref<32768x256xf32, #tpu.memory_space<hbm>>
    tpu.wait_indirect_dma semaphore(%arg7 : memref<!tpu.dma_semaphore, #tpu.memory_space<semaphore_mem>>) src(%dma_wait3A_75 : memref<32768x256xf32, #tpu.memory_space<hbm>>) dst(%arg6 : memref<128x256xf32, #tpu.memory_space<vmem>>)
    "tpu.region"() ({
      %run_scoped3A = tpu.sem_alloc : memref<!tpu.dma_semaphore, #tpu.memory_space<semaphore_mem>>
      %dma_start3A_580 = arith.constant 0 : i32
      %dma_start3A_581 = tpu.memref_slice %arg4[%add3A_9, %dma_start3A_580] : memref<32768x256xf32, #tpu.memory_space<hbm>> -> memref<128x256xf32, #tpu.memory_space<hbm>>
      %dma_start3A_582 = arith.constant 0 : i32
      %dma_start3A_583 = tpu.memref_slice %arg4[%add3A_9, %dma_start3A_582] : memref<32768x256xf32, #tpu.memory_space<hbm>> -> memref<128x256xf32, #tpu.memory_space<hbm>>
      tpu.enqueue_dma source(%arg6 : memref<128x256xf32, #tpu.memory_space<vmem>>) target(%dma_start3A_583 : memref<128x256xf32, #tpu.memory_space<hbm>>) target_semaphore(%run_scoped3A : memref<!tpu.dma_semaphore, #tpu.memory_space<semaphore_mem>>)
      %dma_wait3A_584 = arith.constant 0 : i32
      %dma_wait3A_585 = tpu.memref_slice %arg4[%add3A_9, %dma_wait3A_584] : memref<32768x256xf32, #tpu.memory_space<hbm>> -> memref<128x256xf32, #tpu.memory_space<hbm>>
      %dma_wait3A_586 = arith.constant 0 : i32
      %dma_wait3A_587 = tpu.memref_slice %arg4[%add3A_9, %dma_wait3A_586] : memref<32768x256xf32, #tpu.memory_space<hbm>> -> memref<128x256xf32, #tpu.memory_space<hbm>>
      tpu.wait_dma2 semaphore(%run_scoped3A : memref<!tpu.dma_semaphore, #tpu.memory_space<semaphore_mem>>) src(%arg6 : memref<128x256xf32, #tpu.memory_space<vmem>>) dst(%dma_wait3A_587 : memref<128x256xf32, #tpu.memory_space<hbm>>)
      tpu.yield
    }) : () -> ()
    %add3A_76 = arith.constant 128 : i32
    %add3A_77 = arith.addi %mul3A_2, %add3A_76 : i32
    "tpu.region"() ({
      %run_scoped3A = tpu.sem_alloc : memref<!tpu.dma_semaphore, #tpu.memory_space<semaphore_mem>>
      %dma_start3A_580 = tpu.memref_slice %arg3[%add3A_77] : memref<32768xi32, #tpu.memory_space<hbm>> -> memref<128xi32, #tpu.memory_space<hbm>>
      %dma_start3A_581 = tpu.memref_slice %arg3[%add3A_77] : memref<32768xi32, #tpu.memory_space<hbm>> -> memref<128xi32, #tpu.memory_space<hbm>>
      tpu.enqueue_dma source(%dma_start3A_581 : memref<128xi32, #tpu.memory_space<hbm>>) target(%arg5 : memref<128xi32, #tpu.memory_space<vmem>>) target_semaphore(%run_scoped3A : memref<!tpu.dma_semaphore, #tpu.memory_space<semaphore_mem>>)
      %dma_wait3A_582 = tpu.memref_slice %arg3[%add3A_77] : memref<32768xi32, #tpu.memory_space<hbm>> -> memref<128xi32, #tpu.memory_space<hbm>>
      %dma_wait3A_583 = tpu.memref_slice %arg3[%add3A_77] : memref<32768xi32, #tpu.memory_space<hbm>> -> memref<128xi32, #tpu.memory_space<hbm>>
      tpu.wait_dma2 semaphore(%run_scoped3A : memref<!tpu.dma_semaphore, #tpu.memory_space<semaphore_mem>>) src(%dma_wait3A_583 : memref<128xi32, #tpu.memory_space<hbm>>) dst(%arg5 : memref<128xi32, #tpu.memory_space<vmem>>)
      tpu.yield
    }) : () -> ()
    %get3A_78 = arith.constant 0 : index
    %get3A_79 = tpu.vector_load %arg5[%get3A_78] {strides = array<i32>} : memref<128xi32, #tpu.memory_space<vmem>>, vector<16xi32>,
    %get3A_80 = vector.shape_cast %get3A_79 : vector<16xi32> to vector<16xi32>
    %add3A_81 = arith.addi %get3A_80, %mul3A_7 : vector<16xi32>
    %swap3A_82 = arith.constant 0 : index
    %swap3A_83 = tpu.vector_load %arg5[%swap3A_82] {strides = array<i32>} : memref<128xi32, #tpu.memory_space<vmem>>, vector<16xi32>,
    %swap3A_84 = vector.shape_cast %swap3A_83 : vector<16xi32> to vector<16xi32>
    %swap3A_85 = vector.shape_cast %add3A_81 : vector<16xi32> to vector<16xi32>
    tpu.vector_store %arg5[%swap3A_82], %swap3A_85 {strides = array<i32>} : memref<128xi32, #tpu.memory_space<vmem>>, vector<16xi32>,
    %get3A_86 = arith.constant 16 : index
    %get3A_87 = tpu.vector_load %arg5[%get3A_86] {strides = array<i32>} : memref<128xi32, #tpu.memory_space<vmem>>, vector<16xi32>,
    %get3A_88 = vector.shape_cast %get3A_87 : vector<16xi32> to vector<16xi32>
    %add3A_89 = arith.addi %get3A_88, %mul3A_7 : vector<16xi32>
    %swap3A_90 = arith.constant 16 : index
    %swap3A_91 = tpu.vector_load %arg5[%swap3A_90] {strides = array<i32>} : memref<128xi32, #tpu.memory_space<vmem>>, vector<16xi32>,
    %swap3A_92 = vector.shape_cast %swap3A_91 : vector<16xi32> to vector<16xi32>
    %swap3A_93 = vector.shape_cast %add3A_89 : vector<16xi32> to vector<16xi32>
    tpu.vector_store %arg5[%swap3A_90], %swap3A_93 {strides = array<i32>} : memref<128xi32, #tpu.memory_space<vmem>>, vector<16xi32>,
    %get3A_94 = arith.constant 32 : index
    %get3A_95 = tpu.vector_load %arg5[%get3A_94] {strides = array<i32>} : memref<128xi32, #tpu.memory_space<vmem>>, vector<16xi32>,
    %get3A_96 = vector.shape_cast %get3A_95 : vector<16xi32> to vector<16xi32>
    %add3A_97 = arith.addi %get3A_96, %mul3A_7 : vector<16xi32>
    %swap3A_98 = arith.constant 32 : index
    %swap3A_99 = tpu.vector_load %arg5[%swap3A_98] {strides = array<i32>} : memref<128xi32, #tpu.memory_space<vmem>>, vector<16xi32>,
    %swap3A_100 = vector.shape_cast %swap3A_99 : vector<16xi32> to vector<16xi32>
    %swap3A_101 = vector.shape_cast %add3A_97 : vector<16xi32> to vector<16xi32>
    tpu.vector_store %arg5[%swap3A_98], %swap3A_101 {strides = array<i32>} : memref<128xi32, #tpu.memory_space<vmem>>, vector<16xi32>,
    %get3A_102 = arith.constant 48 : index
    %get3A_103 = tpu.vector_load %arg5[%get3A_102] {strides = array<i32>} : memref<128xi32, #tpu.memory_space<vmem>>, vector<16xi32>,
    %get3A_104 = vector.shape_cast %get3A_103 : vector<16xi32> to vector<16xi32>
    %add3A_105 = arith.addi %get3A_104, %mul3A_7 : vector<16xi32>
    %swap3A_106 = arith.constant 48 : index
    %swap3A_107 = tpu.vector_load %arg5[%swap3A_106] {strides = array<i32>} : memref<128xi32, #tpu.memory_space<vmem>>, vector<16xi32>,
    %swap3A_108 = vector.shape_cast %swap3A_107 : vector<16xi32> to vector<16xi32>
    %swap3A_109 = vector.shape_cast %add3A_105 : vector<16xi32> to vector<16xi32>
    tpu.vector_store %arg5[%swap3A_106], %swap3A_109 {strides = array<i32>} : memref<128xi32, #tpu.memory_space<vmem>>, vector<16xi32>,
    %get3A_110 = arith.constant 64 : index
    %get3A_111 = tpu.vector_load %arg5[%get3A_110] {strides = array<i32>} : memref<128xi32, #tpu.memory_space<vmem>>, vector<16xi32>,
    %get3A_112 = vector.shape_cast %get3A_111 : vector<16xi32> to vector<16xi32>
    %add3A_113 = arith.addi %get3A_112, %mul3A_7 : vector<16xi32>
    %swap3A_114 = arith.constant 64 : index
    %swap3A_115 = tpu.vector_load %arg5[%swap3A_114] {strides = array<i32>} : memref<128xi32, #tpu.memory_space<vmem>>, vector<16xi32>,
    %swap3A_116 = vector.shape_cast %swap3A_115 : vector<16xi32> to vector<16xi32>
    %swap3A_117 = vector.shape_cast %add3A_113 : vector<16xi32> to vector<16xi32>
    tpu.vector_store %arg5[%swap3A_114], %swap3A_117 {strides = array<i32>} : memref<128xi32, #tpu.memory_space<vmem>>, vector<16xi32>,
    %get3A_118 = arith.constant 80 : index
    %get3A_119 = tpu.vector_load %arg5[%get3A_118] {strides = array<i32>} : memref<128xi32, #tpu.memory_space<vmem>>, vector<16xi32>,
    %get3A_120 = vector.shape_cast %get3A_119 : vector<16xi32> to vector<16xi32>
    %add3A_121 = arith.addi %get3A_120, %mul3A_7 : vector<16xi32>
    %swap3A_122 = arith.constant 80 : index
    %swap3A_123 = tpu.vector_load %arg5[%swap3A_122] {strides = array<i32>} : memref<128xi32, #tpu.memory_space<vmem>>, vector<16xi32>,
    %swap3A_124 = vector.shape_cast %swap3A_123 : vector<16xi32> to vector<16xi32>
    %swap3A_125 = vector.shape_cast %add3A_121 : vector<16xi32> to vector<16xi32>
    tpu.vector_store %arg5[%swap3A_122], %swap3A_125 {strides = array<i32>} : memref<128xi32, #tpu.memory_space<vmem>>, vector<16xi32>,
    %get3A_126 = arith.constant 96 : index
    %get3A_127 = tpu.vector_load %arg5[%get3A_126] {strides = array<i32>} : memref<128xi32, #tpu.memory_space<vmem>>, vector<16xi32>,
    %get3A_128 = vector.shape_cast %get3A_127 : vector<16xi32> to vector<16xi32>
    %add3A_129 = arith.addi %get3A_128, %mul3A_7 : vector<16xi32>
    %swap3A_130 = arith.constant 96 : index
    %swap3A_131 = tpu.vector_load %arg5[%swap3A_130] {strides = array<i32>} : memref<128xi32, #tpu.memory_space<vmem>>, vector<16xi32>,
    %swap3A_132 = vector.shape_cast %swap3A_131 : vector<16xi32> to vector<16xi32>
    %swap3A_133 = vector.shape_cast %add3A_129 : vector<16xi32> to vector<16xi32>
    tpu.vector_store %arg5[%swap3A_130], %swap3A_133 {strides = array<i32>} : memref<128xi32, #tpu.memory_space<vmem>>, vector<16xi32>,
    %get3A_134 = arith.constant 112 : index
    %get3A_135 = tpu.vector_load %arg5[%get3A_134] {strides = array<i32>} : memref<128xi32, #tpu.memory_space<vmem>>, vector<16xi32>,
    %get3A_136 = vector.shape_cast %get3A_135 : vector<16xi32> to vector<16xi32>
    %add3A_137 = arith.addi %get3A_136, %mul3A_7 : vector<16xi32>
    %swap3A_138 = arith.constant 112 : index
    %swap3A_139 = tpu.vector_load %arg5[%swap3A_138] {strides = array<i32>} : memref<128xi32, #tpu.memory_space<vmem>>, vector<16xi32>,
    %swap3A_140 = vector.shape_cast %swap3A_139 : vector<16xi32> to vector<16xi32>
    %swap3A_141 = vector.shape_cast %add3A_137 : vector<16xi32> to vector<16xi32>
    tpu.vector_store %arg5[%swap3A_138], %swap3A_141 {strides = array<i32>} : memref<128xi32, #tpu.memory_space<vmem>>, vector<16xi32>,
    %dma_start3A_142 = arith.constant 0 : i32
    %dma_start3A_143 = arith.constant 0 : i32
    %dma_start3A_144 = tpu.memref_slice %arg2[%dma_start3A_142, %dma_start3A_143] : memref<32768x256xf32, #tpu.memory_space<hbm>> -> memref<32768x256xf32, #tpu.memory_space<hbm>>
    tpu.enqueue_indirect_dma source(%dma_start3A_144 : memref<32768x256xf32, #tpu.memory_space<hbm>>) target(%arg6 : memref<128x256xf32, #tpu.memory_space<vmem>>) offsets(%arg5 : memref<128xi32, #tpu.memory_space<vmem>>) semaphore(%arg7 : memref<!tpu.dma_semaphore, #tpu.memory_space<semaphore_mem>>)
    %dma_wait3A_145 = arith.constant 0 : i32
    %dma_wait3A_146 = arith.constant 0 : i32
    %dma_wait3A_147 = tpu.memref_slice %arg2[%dma_wait3A_145, %dma_wait3A_146] : memref<32768x256xf32, #tpu.memory_space<hbm>> -> memref<32768x256xf32, #tpu.memory_space<hbm>>
    tpu.wait_indirect_dma semaphore(%arg7 : memref<!tpu.dma_semaphore, #tpu.memory_space<semaphore_mem>>) src(%dma_wait3A_147 : memref<32768x256xf32, #tpu.memory_space<hbm>>) dst(%arg6 : memref<128x256xf32, #tpu.memory_space<vmem>>)
    "tpu.region"() ({
      %run_scoped3A = tpu.sem_alloc : memref<!tpu.dma_semaphore, #tpu.memory_space<semaphore_mem>>
      %dma_start3A_580 = arith.constant 0 : i32
      %dma_start3A_581 = tpu.memref_slice %arg4[%add3A_77, %dma_start3A_580] : memref<32768x256xf32, #tpu.memory_space<hbm>> -> memref<128x256xf32, #tpu.memory_space<hbm>>
      %dma_start3A_582 = arith.constant 0 : i32
      %dma_start3A_583 = tpu.memref_slice %arg4[%add3A_77, %dma_start3A_582] : memref<32768x256xf32, #tpu.memory_space<hbm>> -> memref<128x256xf32, #tpu.memory_space<hbm>>
      tpu.enqueue_dma source(%arg6 : memref<128x256xf32, #tpu.memory_space<vmem>>) target(%dma_start3A_583 : memref<128x256xf32, #tpu.memory_space<hbm>>) target_semaphore(%run_scoped3A : memref<!tpu.dma_semaphore, #tpu.memory_space<semaphore_mem>>)
      %dma_wait3A_584 = arith.constant 0 : i32
      %dma_wait3A_585 = tpu.memref_slice %arg4[%add3A_77, %dma_wait3A_584] : memref<32768x256xf32, #tpu.memory_space<hbm>> -> memref<128x256xf32, #tpu.memory_space<hbm>>
      %dma_wait3A_586 = arith.constant 0 : i32
      %dma_wait3A_587 = tpu.memref_slice %arg4[%add3A_77, %dma_wait3A_586] : memref<32768x256xf32, #tpu.memory_space<hbm>> -> memref<128x256xf32, #tpu.memory_space<hbm>>
      tpu.wait_dma2 semaphore(%run_scoped3A : memref<!tpu.dma_semaphore, #tpu.memory_space<semaphore_mem>>) src(%arg6 : memref<128x256xf32, #tpu.memory_space<vmem>>) dst(%dma_wait3A_587 : memref<128x256xf32, #tpu.memory_space<hbm>>)
      tpu.yield
    }) : () -> ()
    %add3A_148 = arith.constant 256 : i32
    %add3A_149 = arith.addi %mul3A_2, %add3A_148 : i32
    "tpu.region"() ({
      %run_scoped3A = tpu.sem_alloc : memref<!tpu.dma_semaphore, #tpu.memory_space<semaphore_mem>>
      %dma_start3A_580 = tpu.memref_slice %arg3[%add3A_149] : memref<32768xi32, #tpu.memory_space<hbm>> -> memref<128xi32, #tpu.memory_space<hbm>>
      %dma_start3A_581 = tpu.memref_slice %arg3[%add3A_149] : memref<32768xi32, #tpu.memory_space<hbm>> -> memref<128xi32, #tpu.memory_space<hbm>>
      tpu.enqueue_dma source(%dma_start3A_581 : memref<128xi32, #tpu.memory_space<hbm>>) target(%arg5 : memref<128xi32, #tpu.memory_space<vmem>>) target_semaphore(%run_scoped3A : memref<!tpu.dma_semaphore, #tpu.memory_space<semaphore_mem>>)
      %dma_wait3A_582 = tpu.memref_slice %arg3[%add3A_149] : memref<32768xi32, #tpu.memory_space<hbm>> -> memref<128xi32, #tpu.memory_space<hbm>>
      %dma_wait3A_583 = tpu.memref_slice %arg3[%add3A_149] : memref<32768xi32, #tpu.memory_space<hbm>> -> memref<128xi32, #tpu.memory_space<hbm>>
      tpu.wait_dma2 semaphore(%run_scoped3A : memref<!tpu.dma_semaphore, #tpu.memory_space<semaphore_mem>>) src(%dma_wait3A_583 : memref<128xi32, #tpu.memory_space<hbm>>) dst(%arg5 : memref<128xi32, #tpu.memory_space<vmem>>)
      tpu.yield
    }) : () -> ()
    %get3A_150 = arith.constant 0 : index
    %get3A_151 = tpu.vector_load %arg5[%get3A_150] {strides = array<i32>} : memref<128xi32, #tpu.memory_space<vmem>>, vector<16xi32>,
    %get3A_152 = vector.shape_cast %get3A_151 : vector<16xi32> to vector<16xi32>
    %add3A_153 = arith.addi %get3A_152, %mul3A_7 : vector<16xi32>
    %swap3A_154 = arith.constant 0 : index
    %swap3A_155 = tpu.vector_load %arg5[%swap3A_154] {strides = array<i32>} : memref<128xi32, #tpu.memory_space<vmem>>, vector<16xi32>,
    %swap3A_156 = vector.shape_cast %swap3A_155 : vector<16xi32> to vector<16xi32>
    %swap3A_157 = vector.shape_cast %add3A_153 : vector<16xi32> to vector<16xi32>
    tpu.vector_store %arg5[%swap3A_154], %swap3A_157 {strides = array<i32>} : memref<128xi32, #tpu.memory_space<vmem>>, vector<16xi32>,
    %get3A_158 = arith.constant 16 : index
    %get3A_159 = tpu.vector_load %arg5[%get3A_158] {strides = array<i32>} : memref<128xi32, #tpu.memory_space<vmem>>, vector<16xi32>,
    %get3A_160 = vector.shape_cast %get3A_159 : vector<16xi32> to vector<16xi32>
    %add3A_161 = arith.addi %get3A_160, %mul3A_7 : vector<16xi32>
    %swap3A_162 = arith.constant 16 : index
    %swap3A_163 = tpu.vector_load %arg5[%swap3A_162] {strides = array<i32>} : memref<128xi32, #tpu.memory_space<vmem>>, vector<16xi32>,
    %swap3A_164 = vector.shape_cast %swap3A_163 : vector<16xi32> to vector<16xi32>
    %swap3A_165 = vector.shape_cast %add3A_161 : vector<16xi32> to vector<16xi32>
    tpu.vector_store %arg5[%swap3A_162], %swap3A_165 {strides = array<i32>} : memref<128xi32, #tpu.memory_space<vmem>>, vector<16xi32>,
    %get3A_166 = arith.constant 32 : index
    %get3A_167 = tpu.vector_load %arg5[%get3A_166] {strides = array<i32>} : memref<128xi32, #tpu.memory_space<vmem>>, vector<16xi32>,
    %get3A_168 = vector.shape_cast %get3A_167 : vector<16xi32> to vector<16xi32>
    %add3A_169 = arith.addi %get3A_168, %mul3A_7 : vector<16xi32>
    %swap3A_170 = arith.constant 32 : index
    %swap3A_171 = tpu.vector_load %arg5[%swap3A_170] {strides = array<i32>} : memref<128xi32, #tpu.memory_space<vmem>>, vector<16xi32>,
    %swap3A_172 = vector.shape_cast %swap3A_171 : vector<16xi32> to vector<16xi32>
    %swap3A_173 = vector.shape_cast %add3A_169 : vector<16xi32> to vector<16xi32>
    tpu.vector_store %arg5[%swap3A_170], %swap3A_173 {strides = array<i32>} : memref<128xi32, #tpu.memory_space<vmem>>, vector<16xi32>,
    %get3A_174 = arith.constant 48 : index
    %get3A_175 = tpu.vector_load %arg5[%get3A_174] {strides = array<i32>} : memref<128xi32, #tpu.memory_space<vmem>>, vector<16xi32>,
    %get3A_176 = vector.shape_cast %get3A_175 : vector<16xi32> to vector<16xi32>
    %add3A_177 = arith.addi %get3A_176, %mul3A_7 : vector<16xi32>
    %swap3A_178 = arith.constant 48 : index
    %swap3A_179 = tpu.vector_load %arg5[%swap3A_178] {strides = array<i32>} : memref<128xi32, #tpu.memory_space<vmem>>, vector<16xi32>,
    %swap3A_180 = vector.shape_cast %swap3A_179 : vector<16xi32> to vector<16xi32>
    %swap3A_181 = vector.shape_cast %add3A_177 : vector<16xi32> to vector<16xi32>
    tpu.vector_store %arg5[%swap3A_178], %swap3A_181 {strides = array<i32>} : memref<128xi32, #tpu.memory_space<vmem>>, vector<16xi32>,
    %get3A_182 = arith.constant 64 : index
    %get3A_183 = tpu.vector_load %arg5[%get3A_182] {strides = array<i32>} : memref<128xi32, #tpu.memory_space<vmem>>, vector<16xi32>,
    %get3A_184 = vector.shape_cast %get3A_183 : vector<16xi32> to vector<16xi32>
    %add3A_185 = arith.addi %get3A_184, %mul3A_7 : vector<16xi32>
    %swap3A_186 = arith.constant 64 : index
    %swap3A_187 = tpu.vector_load %arg5[%swap3A_186] {strides = array<i32>} : memref<128xi32, #tpu.memory_space<vmem>>, vector<16xi32>,
    %swap3A_188 = vector.shape_cast %swap3A_187 : vector<16xi32> to vector<16xi32>
    %swap3A_189 = vector.shape_cast %add3A_185 : vector<16xi32> to vector<16xi32>
    tpu.vector_store %arg5[%swap3A_186], %swap3A_189 {strides = array<i32>} : memref<128xi32, #tpu.memory_space<vmem>>, vector<16xi32>,
    %get3A_190 = arith.constant 80 : index
    %get3A_191 = tpu.vector_load %arg5[%get3A_190] {strides = array<i32>} : memref<128xi32, #tpu.memory_space<vmem>>, vector<16xi32>,
    %get3A_192 = vector.shape_cast %get3A_191 : vector<16xi32> to vector<16xi32>
    %add3A_193 = arith.addi %get3A_192, %mul3A_7 : vector<16xi32>
    %swap3A_194 = arith.constant 80 : index
    %swap3A_195 = tpu.vector_load %arg5[%swap3A_194] {strides = array<i32>} : memref<128xi32, #tpu.memory_space<vmem>>, vector<16xi32>,
    %swap3A_196 = vector.shape_cast %swap3A_195 : vector<16xi32> to vector<16xi32>
    %swap3A_197 = vector.shape_cast %add3A_193 : vector<16xi32> to vector<16xi32>
    tpu.vector_store %arg5[%swap3A_194], %swap3A_197 {strides = array<i32>} : memref<128xi32, #tpu.memory_space<vmem>>, vector<16xi32>,
    %get3A_198 = arith.constant 96 : index
    %get3A_199 = tpu.vector_load %arg5[%get3A_198] {strides = array<i32>} : memref<128xi32, #tpu.memory_space<vmem>>, vector<16xi32>,
    %get3A_200 = vector.shape_cast %get3A_199 : vector<16xi32> to vector<16xi32>
    %add3A_201 = arith.addi %get3A_200, %mul3A_7 : vector<16xi32>
    %swap3A_202 = arith.constant 96 : index
    %swap3A_203 = tpu.vector_load %arg5[%swap3A_202] {strides = array<i32>} : memref<128xi32, #tpu.memory_space<vmem>>, vector<16xi32>,
    %swap3A_204 = vector.shape_cast %swap3A_203 : vector<16xi32> to vector<16xi32>
    %swap3A_205 = vector.shape_cast %add3A_201 : vector<16xi32> to vector<16xi32>
    tpu.vector_store %arg5[%swap3A_202], %swap3A_205 {strides = array<i32>} : memref<128xi32, #tpu.memory_space<vmem>>, vector<16xi32>,
    %get3A_206 = arith.constant 112 : index
    %get3A_207 = tpu.vector_load %arg5[%get3A_206] {strides = array<i32>} : memref<128xi32, #tpu.memory_space<vmem>>, vector<16xi32>,
    %get3A_208 = vector.shape_cast %get3A_207 : vector<16xi32> to vector<16xi32>
    %add3A_209 = arith.addi %get3A_208, %mul3A_7 : vector<16xi32>
    %swap3A_210 = arith.constant 112 : index
    %swap3A_211 = tpu.vector_load %arg5[%swap3A_210] {strides = array<i32>} : memref<128xi32, #tpu.memory_space<vmem>>, vector<16xi32>,
    %swap3A_212 = vector.shape_cast %swap3A_211 : vector<16xi32> to vector<16xi32>
    %swap3A_213 = vector.shape_cast %add3A_209 : vector<16xi32> to vector<16xi32>
    tpu.vector_store %arg5[%swap3A_210], %swap3A_213 {strides = array<i32>} : memref<128xi32, #tpu.memory_space<vmem>>, vector<16xi32>,
    %dma_start3A_214 = arith.constant 0 : i32
    %dma_start3A_215 = arith.constant 0 : i32
    %dma_start3A_216 = tpu.memref_slice %arg2[%dma_start3A_214, %dma_start3A_215] : memref<32768x256xf32, #tpu.memory_space<hbm>> -> memref<32768x256xf32, #tpu.memory_space<hbm>>
    tpu.enqueue_indirect_dma source(%dma_start3A_216 : memref<32768x256xf32, #tpu.memory_space<hbm>>) target(%arg6 : memref<128x256xf32, #tpu.memory_space<vmem>>) offsets(%arg5 : memref<128xi32, #tpu.memory_space<vmem>>) semaphore(%arg7 : memref<!tpu.dma_semaphore, #tpu.memory_space<semaphore_mem>>)
    %dma_wait3A_217 = arith.constant 0 : i32
    %dma_wait3A_218 = arith.constant 0 : i32
    %dma_wait3A_219 = tpu.memref_slice %arg2[%dma_wait3A_217, %dma_wait3A_218] : memref<32768x256xf32, #tpu.memory_space<hbm>> -> memref<32768x256xf32, #tpu.memory_space<hbm>>
    tpu.wait_indirect_dma semaphore(%arg7 : memref<!tpu.dma_semaphore, #tpu.memory_space<semaphore_mem>>) src(%dma_wait3A_219 : memref<32768x256xf32, #tpu.memory_space<hbm>>) dst(%arg6 : memref<128x256xf32, #tpu.memory_space<vmem>>)
    "tpu.region"() ({
      %run_scoped3A = tpu.sem_alloc : memref<!tpu.dma_semaphore, #tpu.memory_space<semaphore_mem>>
      %dma_start3A_580 = arith.constant 0 : i32
      %dma_start3A_581 = tpu.memref_slice %arg4[%add3A_149, %dma_start3A_580] : memref<32768x256xf32, #tpu.memory_space<hbm>> -> memref<128x256xf32, #tpu.memory_space<hbm>>
      %dma_start3A_582 = arith.constant 0 : i32
      %dma_start3A_583 = tpu.memref_slice %arg4[%add3A_149, %dma_start3A_582] : memref<32768x256xf32, #tpu.memory_space<hbm>> -> memref<128x256xf32, #tpu.memory_space<hbm>>
      tpu.enqueue_dma source(%arg6 : memref<128x256xf32, #tpu.memory_space<vmem>>) target(%dma_start3A_583 : memref<128x256xf32, #tpu.memory_space<hbm>>) target_semaphore(%run_scoped3A : memref<!tpu.dma_semaphore, #tpu.memory_space<semaphore_mem>>)
      %dma_wait3A_584 = arith.constant 0 : i32
      %dma_wait3A_585 = tpu.memref_slice %arg4[%add3A_149, %dma_wait3A_584] : memref<32768x256xf32, #tpu.memory_space<hbm>> -> memref<128x256xf32, #tpu.memory_space<hbm>>
      %dma_wait3A_586 = arith.constant 0 : i32
      %dma_wait3A_587 = tpu.memref_slice %arg4[%add3A_149, %dma_wait3A_586] : memref<32768x256xf32, #tpu.memory_space<hbm>> -> memref<128x256xf32, #tpu.memory_space<hbm>>
      tpu.wait_dma2 semaphore(%run_scoped3A : memref<!tpu.dma_semaphore, #tpu.memory_space<semaphore_mem>>) src(%arg6 : memref<128x256xf32, #tpu.memory_space<vmem>>) dst(%dma_wait3A_587 : memref<128x256xf32, #tpu.memory_space<hbm>>)
      tpu.yield
    }) : () -> ()
    %add3A_220 = arith.constant 384 : i32
    %add3A_221 = arith.addi %mul3A_2, %add3A_220 : i32
    "tpu.region"() ({
      %run_scoped3A = tpu.sem_alloc : memref<!tpu.dma_semaphore, #tpu.memory_space<semaphore_mem>>
      %dma_start3A_580 = tpu.memref_slice %arg3[%add3A_221] : memref<32768xi32, #tpu.memory_space<hbm>> -> memref<128xi32, #tpu.memory_space<hbm>>
      %dma_start3A_581 = tpu.memref_slice %arg3[%add3A_221] : memref<32768xi32, #tpu.memory_space<hbm>> -> memref<128xi32, #tpu.memory_space<hbm>>
      tpu.enqueue_dma source(%dma_start3A_581 : memref<128xi32, #tpu.memory_space<hbm>>) target(%arg5 : memref<128xi32, #tpu.memory_space<vmem>>) target_semaphore(%run_scoped3A : memref<!tpu.dma_semaphore, #tpu.memory_space<semaphore_mem>>)
      %dma_wait3A_582 = tpu.memref_slice %arg3[%add3A_221] : memref<32768xi32, #tpu.memory_space<hbm>> -> memref<128xi32, #tpu.memory_space<hbm>>
      %dma_wait3A_583 = tpu.memref_slice %arg3[%add3A_221] : memref<32768xi32, #tpu.memory_space<hbm>> -> memref<128xi32, #tpu.memory_space<hbm>>
      tpu.wait_dma2 semaphore(%run_scoped3A : memref<!tpu.dma_semaphore, #tpu.memory_space<semaphore_mem>>) src(%dma_wait3A_583 : memref<128xi32, #tpu.memory_space<hbm>>) dst(%arg5 : memref<128xi32, #tpu.memory_space<vmem>>)
      tpu.yield
    }) : () -> ()
    %get3A_222 = arith.constant 0 : index
    %get3A_223 = tpu.vector_load %arg5[%get3A_222] {strides = array<i32>} : memref<128xi32, #tpu.memory_space<vmem>>, vector<16xi32>,
    %get3A_224 = vector.shape_cast %get3A_223 : vector<16xi32> to vector<16xi32>
    %add3A_225 = arith.addi %get3A_224, %mul3A_7 : vector<16xi32>
    %swap3A_226 = arith.constant 0 : index
    %swap3A_227 = tpu.vector_load %arg5[%swap3A_226] {strides = array<i32>} : memref<128xi32, #tpu.memory_space<vmem>>, vector<16xi32>,
    %swap3A_228 = vector.shape_cast %swap3A_227 : vector<16xi32> to vector<16xi32>
    %swap3A_229 = vector.shape_cast %add3A_225 : vector<16xi32> to vector<16xi32>
    tpu.vector_store %arg5[%swap3A_226], %swap3A_229 {strides = array<i32>} : memref<128xi32, #tpu.memory_space<vmem>>, vector<16xi32>,
    %get3A_230 = arith.constant 16 : index
    %get3A_231 = tpu.vector_load %arg5[%get3A_230] {strides = array<i32>} : memref<128xi32, #tpu.memory_space<vmem>>, vector<16xi32>,
    %get3A_232 = vector.shape_cast %get3A_231 : vector<16xi32> to vector<16xi32>
    %add3A_233 = arith.addi %get3A_232, %mul3A_7 : vector<16xi32>
    %swap3A_234 = arith.constant 16 : index
    %swap3A_235 = tpu.vector_load %arg5[%swap3A_234] {strides = array<i32>} : memref<128xi32, #tpu.memory_space<vmem>>, vector<16xi32>,
    %swap3A_236 = vector.shape_cast %swap3A_235 : vector<16xi32> to vector<16xi32>
    %swap3A_237 = vector.shape_cast %add3A_233 : vector<16xi32> to vector<16xi32>
    tpu.vector_store %arg5[%swap3A_234], %swap3A_237 {strides = array<i32>} : memref<128xi32, #tpu.memory_space<vmem>>, vector<16xi32>,
    %get3A_238 = arith.constant 32 : index
    %get3A_239 = tpu.vector_load %arg5[%get3A_238] {strides = array<i32>} : memref<128xi32, #tpu.memory_space<vmem>>, vector<16xi32>,
    %get3A_240 = vector.shape_cast %get3A_239 : vector<16xi32> to vector<16xi32>
    %add3A_241 = arith.addi %get3A_240, %mul3A_7 : vector<16xi32>
    %swap3A_242 = arith.constant 32 : index
    %swap3A_243 = tpu.vector_load %arg5[%swap3A_242] {strides = array<i32>} : memref<128xi32, #tpu.memory_space<vmem>>, vector<16xi32>,
    %swap3A_244 = vector.shape_cast %swap3A_243 : vector<16xi32> to vector<16xi32>
    %swap3A_245 = vector.shape_cast %add3A_241 : vector<16xi32> to vector<16xi32>
    tpu.vector_store %arg5[%swap3A_242], %swap3A_245 {strides = array<i32>} : memref<128xi32, #tpu.memory_space<vmem>>, vector<16xi32>,
    %get3A_246 = arith.constant 48 : index
    %get3A_247 = tpu.vector_load %arg5[%get3A_246] {strides = array<i32>} : memref<128xi32, #tpu.memory_space<vmem>>, vector<16xi32>,
    %get3A_248 = vector.shape_cast %get3A_247 : vector<16xi32> to vector<16xi32>
    %add3A_249 = arith.addi %get3A_248, %mul3A_7 : vector<16xi32>
    %swap3A_250 = arith.constant 48 : index
    %swap3A_251 = tpu.vector_load %arg5[%swap3A_250] {strides = array<i32>} : memref<128xi32, #tpu.memory_space<vmem>>, vector<16xi32>,
    %swap3A_252 = vector.shape_cast %swap3A_251 : vector<16xi32> to vector<16xi32>
    %swap3A_253 = vector.shape_cast %add3A_249 : vector<16xi32> to vector<16xi32>
    tpu.vector_store %arg5[%swap3A_250], %swap3A_253 {strides = array<i32>} : memref<128xi32, #tpu.memory_space<vmem>>, vector<16xi32>,
    %get3A_254 = arith.constant 64 : index
    %get3A_255 = tpu.vector_load %arg5[%get3A_254] {strides = array<i32>} : memref<128xi32, #tpu.memory_space<vmem>>, vector<16xi32>,
    %get3A_256 = vector.shape_cast %get3A_255 : vector<16xi32> to vector<16xi32>
    %add3A_257 = arith.addi %get3A_256, %mul3A_7 : vector<16xi32>
    %swap3A_258 = arith.constant 64 : index
    %swap3A_259 = tpu.vector_load %arg5[%swap3A_258] {strides = array<i32>} : memref<128xi32, #tpu.memory_space<vmem>>, vector<16xi32>,
    %swap3A_260 = vector.shape_cast %swap3A_259 : vector<16xi32> to vector<16xi32>
    %swap3A_261 = vector.shape_cast %add3A_257 : vector<16xi32> to vector<16xi32>
    tpu.vector_store %arg5[%swap3A_258], %swap3A_261 {strides = array<i32>} : memref<128xi32, #tpu.memory_space<vmem>>, vector<16xi32>,
    %get3A_262 = arith.constant 80 : index
    %get3A_263 = tpu.vector_load %arg5[%get3A_262] {strides = array<i32>} : memref<128xi32, #tpu.memory_space<vmem>>, vector<16xi32>,
    %get3A_264 = vector.shape_cast %get3A_263 : vector<16xi32> to vector<16xi32>
    %add3A_265 = arith.addi %get3A_264, %mul3A_7 : vector<16xi32>
    %swap3A_266 = arith.constant 80 : index
    %swap3A_267 = tpu.vector_load %arg5[%swap3A_266] {strides = array<i32>} : memref<128xi32, #tpu.memory_space<vmem>>, vector<16xi32>,
    %swap3A_268 = vector.shape_cast %swap3A_267 : vector<16xi32> to vector<16xi32>
    %swap3A_269 = vector.shape_cast %add3A_265 : vector<16xi32> to vector<16xi32>
    tpu.vector_store %arg5[%swap3A_266], %swap3A_269 {strides = array<i32>} : memref<128xi32, #tpu.memory_space<vmem>>, vector<16xi32>,
    %get3A_270 = arith.constant 96 : index
    %get3A_271 = tpu.vector_load %arg5[%get3A_270] {strides = array<i32>} : memref<128xi32, #tpu.memory_space<vmem>>, vector<16xi32>,
    %get3A_272 = vector.shape_cast %get3A_271 : vector<16xi32> to vector<16xi32>
    %add3A_273 = arith.addi %get3A_272, %mul3A_7 : vector<16xi32>
    %swap3A_274 = arith.constant 96 : index
    %swap3A_275 = tpu.vector_load %arg5[%swap3A_274] {strides = array<i32>} : memref<128xi32, #tpu.memory_space<vmem>>, vector<16xi32>,
    %swap3A_276 = vector.shape_cast %swap3A_275 : vector<16xi32> to vector<16xi32>
    %swap3A_277 = vector.shape_cast %add3A_273 : vector<16xi32> to vector<16xi32>
    tpu.vector_store %arg5[%swap3A_274], %swap3A_277 {strides = array<i32>} : memref<128xi32, #tpu.memory_space<vmem>>, vector<16xi32>,
    %get3A_278 = arith.constant 112 : index
    %get3A_279 = tpu.vector_load %arg5[%get3A_278] {strides = array<i32>} : memref<128xi32, #tpu.memory_space<vmem>>, vector<16xi32>,
    %get3A_280 = vector.shape_cast %get3A_279 : vector<16xi32> to vector<16xi32>
    %add3A_281 = arith.addi %get3A_280, %mul3A_7 : vector<16xi32>
    %swap3A_282 = arith.constant 112 : index
    %swap3A_283 = tpu.vector_load %arg5[%swap3A_282] {strides = array<i32>} : memref<128xi32, #tpu.memory_space<vmem>>, vector<16xi32>,
    %swap3A_284 = vector.shape_cast %swap3A_283 : vector<16xi32> to vector<16xi32>
    %swap3A_285 = vector.shape_cast %add3A_281 : vector<16xi32> to vector<16xi32>
    tpu.vector_store %arg5[%swap3A_282], %swap3A_285 {strides = array<i32>} : memref<128xi32, #tpu.memory_space<vmem>>, vector<16xi32>,
    %dma_start3A_286 = arith.constant 0 : i32
    %dma_start3A_287 = arith.constant 0 : i32
    %dma_start3A_288 = tpu.memref_slice %arg2[%dma_start3A_286, %dma_start3A_287] : memref<32768x256xf32, #tpu.memory_space<hbm>> -> memref<32768x256xf32, #tpu.memory_space<hbm>>
    tpu.enqueue_indirect_dma source(%dma_start3A_288 : memref<32768x256xf32, #tpu.memory_space<hbm>>) target(%arg6 : memref<128x256xf32, #tpu.memory_space<vmem>>) offsets(%arg5 : memref<128xi32, #tpu.memory_space<vmem>>) semaphore(%arg7 : memref<!tpu.dma_semaphore, #tpu.memory_space<semaphore_mem>>)
    %dma_wait3A_289 = arith.constant 0 : i32
    %dma_wait3A_290 = arith.constant 0 : i32
    %dma_wait3A_291 = tpu.memref_slice %arg2[%dma_wait3A_289, %dma_wait3A_290] : memref<32768x256xf32, #tpu.memory_space<hbm>> -> memref<32768x256xf32, #tpu.memory_space<hbm>>
    tpu.wait_indirect_dma semaphore(%arg7 : memref<!tpu.dma_semaphore, #tpu.memory_space<semaphore_mem>>) src(%dma_wait3A_291 : memref<32768x256xf32, #tpu.memory_space<hbm>>) dst(%arg6 : memref<128x256xf32, #tpu.memory_space<vmem>>)
    "tpu.region"() ({
      %run_scoped3A = tpu.sem_alloc : memref<!tpu.dma_semaphore, #tpu.memory_space<semaphore_mem>>
      %dma_start3A_580 = arith.constant 0 : i32
      %dma_start3A_581 = tpu.memref_slice %arg4[%add3A_221, %dma_start3A_580] : memref<32768x256xf32, #tpu.memory_space<hbm>> -> memref<128x256xf32, #tpu.memory_space<hbm>>
      %dma_start3A_582 = arith.constant 0 : i32
      %dma_start3A_583 = tpu.memref_slice %arg4[%add3A_221, %dma_start3A_582] : memref<32768x256xf32, #tpu.memory_space<hbm>> -> memref<128x256xf32, #tpu.memory_space<hbm>>
      tpu.enqueue_dma source(%arg6 : memref<128x256xf32, #tpu.memory_space<vmem>>) target(%dma_start3A_583 : memref<128x256xf32, #tpu.memory_space<hbm>>) target_semaphore(%run_scoped3A : memref<!tpu.dma_semaphore, #tpu.memory_space<semaphore_mem>>)
      %dma_wait3A_584 = arith.constant 0 : i32
      %dma_wait3A_585 = tpu.memref_slice %arg4[%add3A_221, %dma_wait3A_584] : memref<32768x256xf32, #tpu.memory_space<hbm>> -> memref<128x256xf32, #tpu.memory_space<hbm>>
      %dma_wait3A_586 = arith.constant 0 : i32
      %dma_wait3A_587 = tpu.memref_slice %arg4[%add3A_221, %dma_wait3A_586] : memref<32768x256xf32, #tpu.memory_space<hbm>> -> memref<128x256xf32, #tpu.memory_space<hbm>>
      tpu.wait_dma2 semaphore(%run_scoped3A : memref<!tpu.dma_semaphore, #tpu.memory_space<semaphore_mem>>) src(%arg6 : memref<128x256xf32, #tpu.memory_space<vmem>>) dst(%dma_wait3A_587 : memref<128x256xf32, #tpu.memory_space<hbm>>)
      tpu.yield
    }) : () -> ()
    %add3A_292 = arith.constant 512 : i32
    %add3A_293 = arith.addi %mul3A_2, %add3A_292 : i32
    "tpu.region"() ({
      %run_scoped3A = tpu.sem_alloc : memref<!tpu.dma_semaphore, #tpu.memory_space<semaphore_mem>>
      %dma_start3A_580 = tpu.memref_slice %arg3[%add3A_293] : memref<32768xi32, #tpu.memory_space<hbm>> -> memref<128xi32, #tpu.memory_space<hbm>>
      %dma_start3A_581 = tpu.memref_slice %arg3[%add3A_293] : memref<32768xi32, #tpu.memory_space<hbm>> -> memref<128xi32, #tpu.memory_space<hbm>>
      tpu.enqueue_dma source(%dma_start3A_581 : memref<128xi32, #tpu.memory_space<hbm>>) target(%arg5 : memref<128xi32, #tpu.memory_space<vmem>>) target_semaphore(%run_scoped3A : memref<!tpu.dma_semaphore, #tpu.memory_space<semaphore_mem>>)
      %dma_wait3A_582 = tpu.memref_slice %arg3[%add3A_293] : memref<32768xi32, #tpu.memory_space<hbm>> -> memref<128xi32, #tpu.memory_space<hbm>>
      %dma_wait3A_583 = tpu.memref_slice %arg3[%add3A_293] : memref<32768xi32, #tpu.memory_space<hbm>> -> memref<128xi32, #tpu.memory_space<hbm>>
      tpu.wait_dma2 semaphore(%run_scoped3A : memref<!tpu.dma_semaphore, #tpu.memory_space<semaphore_mem>>) src(%dma_wait3A_583 : memref<128xi32, #tpu.memory_space<hbm>>) dst(%arg5 : memref<128xi32, #tpu.memory_space<vmem>>)
      tpu.yield
    }) : () -> ()
    %get3A_294 = arith.constant 0 : index
    %get3A_295 = tpu.vector_load %arg5[%get3A_294] {strides = array<i32>} : memref<128xi32, #tpu.memory_space<vmem>>, vector<16xi32>,
    %get3A_296 = vector.shape_cast %get3A_295 : vector<16xi32> to vector<16xi32>
    %add3A_297 = arith.addi %get3A_296, %mul3A_7 : vector<16xi32>
    %swap3A_298 = arith.constant 0 : index
    %swap3A_299 = tpu.vector_load %arg5[%swap3A_298] {strides = array<i32>} : memref<128xi32, #tpu.memory_space<vmem>>, vector<16xi32>,
    %swap3A_300 = vector.shape_cast %swap3A_299 : vector<16xi32> to vector<16xi32>
    %swap3A_301 = vector.shape_cast %add3A_297 : vector<16xi32> to vector<16xi32>
    tpu.vector_store %arg5[%swap3A_298], %swap3A_301 {strides = array<i32>} : memref<128xi32, #tpu.memory_space<vmem>>, vector<16xi32>,
    %get3A_302 = arith.constant 16 : index
    %get3A_303 = tpu.vector_load %arg5[%get3A_302] {strides = array<i32>} : memref<128xi32, #tpu.memory_space<vmem>>, vector<16xi32>,
    %get3A_304 = vector.shape_cast %get3A_303 : vector<16xi32> to vector<16xi32>
    %add3A_305 = arith.addi %get3A_304, %mul3A_7 : vector<16xi32>
    %swap3A_306 = arith.constant 16 : index
    %swap3A_307 = tpu.vector_load %arg5[%swap3A_306] {strides = array<i32>} : memref<128xi32, #tpu.memory_space<vmem>>, vector<16xi32>,
    %swap3A_308 = vector.shape_cast %swap3A_307 : vector<16xi32> to vector<16xi32>
    %swap3A_309 = vector.shape_cast %add3A_305 : vector<16xi32> to vector<16xi32>
    tpu.vector_store %arg5[%swap3A_306], %swap3A_309 {strides = array<i32>} : memref<128xi32, #tpu.memory_space<vmem>>, vector<16xi32>,
    %get3A_310 = arith.constant 32 : index
    %get3A_311 = tpu.vector_load %arg5[%get3A_310] {strides = array<i32>} : memref<128xi32, #tpu.memory_space<vmem>>, vector<16xi32>,
    %get3A_312 = vector.shape_cast %get3A_311 : vector<16xi32> to vector<16xi32>
    %add3A_313 = arith.addi %get3A_312, %mul3A_7 : vector<16xi32>
    %swap3A_314 = arith.constant 32 : index
    %swap3A_315 = tpu.vector_load %arg5[%swap3A_314] {strides = array<i32>} : memref<128xi32, #tpu.memory_space<vmem>>, vector<16xi32>,
    %swap3A_316 = vector.shape_cast %swap3A_315 : vector<16xi32> to vector<16xi32>
    %swap3A_317 = vector.shape_cast %add3A_313 : vector<16xi32> to vector<16xi32>
    tpu.vector_store %arg5[%swap3A_314], %swap3A_317 {strides = array<i32>} : memref<128xi32, #tpu.memory_space<vmem>>, vector<16xi32>,
    %get3A_318 = arith.constant 48 : index
    %get3A_319 = tpu.vector_load %arg5[%get3A_318] {strides = array<i32>} : memref<128xi32, #tpu.memory_space<vmem>>, vector<16xi32>,
    %get3A_320 = vector.shape_cast %get3A_319 : vector<16xi32> to vector<16xi32>
    %add3A_321 = arith.addi %get3A_320, %mul3A_7 : vector<16xi32>
    %swap3A_322 = arith.constant 48 : index
    %swap3A_323 = tpu.vector_load %arg5[%swap3A_322] {strides = array<i32>} : memref<128xi32, #tpu.memory_space<vmem>>, vector<16xi32>,
    %swap3A_324 = vector.shape_cast %swap3A_323 : vector<16xi32> to vector<16xi32>
    %swap3A_325 = vector.shape_cast %add3A_321 : vector<16xi32> to vector<16xi32>
    tpu.vector_store %arg5[%swap3A_322], %swap3A_325 {strides = array<i32>} : memref<128xi32, #tpu.memory_space<vmem>>, vector<16xi32>,
    %get3A_326 = arith.constant 64 : index
    %get3A_327 = tpu.vector_load %arg5[%get3A_326] {strides = array<i32>} : memref<128xi32, #tpu.memory_space<vmem>>, vector<16xi32>,
    %get3A_328 = vector.shape_cast %get3A_327 : vector<16xi32> to vector<16xi32>
    %add3A_329 = arith.addi %get3A_328, %mul3A_7 : vector<16xi32>
    %swap3A_330 = arith.constant 64 : index
    %swap3A_331 = tpu.vector_load %arg5[%swap3A_330] {strides = array<i32>} : memref<128xi32, #tpu.memory_space<vmem>>, vector<16xi32>,
    %swap3A_332 = vector.shape_cast %swap3A_331 : vector<16xi32> to vector<16xi32>
    %swap3A_333 = vector.shape_cast %add3A_329 : vector<16xi32> to vector<16xi32>
    tpu.vector_store %arg5[%swap3A_330], %swap3A_333 {strides = array<i32>} : memref<128xi32, #tpu.memory_space<vmem>>, vector<16xi32>,
    %get3A_334 = arith.constant 80 : index
    %get3A_335 = tpu.vector_load %arg5[%get3A_334] {strides = array<i32>} : memref<128xi32, #tpu.memory_space<vmem>>, vector<16xi32>,
    %get3A_336 = vector.shape_cast %get3A_335 : vector<16xi32> to vector<16xi32>
    %add3A_337 = arith.addi %get3A_336, %mul3A_7 : vector<16xi32>
    %swap3A_338 = arith.constant 80 : index
    %swap3A_339 = tpu.vector_load %arg5[%swap3A_338] {strides = array<i32>} : memref<128xi32, #tpu.memory_space<vmem>>, vector<16xi32>,
    %swap3A_340 = vector.shape_cast %swap3A_339 : vector<16xi32> to vector<16xi32>
    %swap3A_341 = vector.shape_cast %add3A_337 : vector<16xi32> to vector<16xi32>
    tpu.vector_store %arg5[%swap3A_338], %swap3A_341 {strides = array<i32>} : memref<128xi32, #tpu.memory_space<vmem>>, vector<16xi32>,
    %get3A_342 = arith.constant 96 : index
    %get3A_343 = tpu.vector_load %arg5[%get3A_342] {strides = array<i32>} : memref<128xi32, #tpu.memory_space<vmem>>, vector<16xi32>,
    %get3A_344 = vector.shape_cast %get3A_343 : vector<16xi32> to vector<16xi32>
    %add3A_345 = arith.addi %get3A_344, %mul3A_7 : vector<16xi32>
    %swap3A_346 = arith.constant 96 : index
    %swap3A_347 = tpu.vector_load %arg5[%swap3A_346] {strides = array<i32>} : memref<128xi32, #tpu.memory_space<vmem>>, vector<16xi32>,
    %swap3A_348 = vector.shape_cast %swap3A_347 : vector<16xi32> to vector<16xi32>
    %swap3A_349 = vector.shape_cast %add3A_345 : vector<16xi32> to vector<16xi32>
    tpu.vector_store %arg5[%swap3A_346], %swap3A_349 {strides = array<i32>} : memref<128xi32, #tpu.memory_space<vmem>>, vector<16xi32>,
    %get3A_350 = arith.constant 112 : index
    %get3A_351 = tpu.vector_load %arg5[%get3A_350] {strides = array<i32>} : memref<128xi32, #tpu.memory_space<vmem>>, vector<16xi32>,
    %get3A_352 = vector.shape_cast %get3A_351 : vector<16xi32> to vector<16xi32>
    %add3A_353 = arith.addi %get3A_352, %mul3A_7 : vector<16xi32>
    %swap3A_354 = arith.constant 112 : index
    %swap3A_355 = tpu.vector_load %arg5[%swap3A_354] {strides = array<i32>} : memref<128xi32, #tpu.memory_space<vmem>>, vector<16xi32>,
    %swap3A_356 = vector.shape_cast %swap3A_355 : vector<16xi32> to vector<16xi32>
    %swap3A_357 = vector.shape_cast %add3A_353 : vector<16xi32> to vector<16xi32>
    tpu.vector_store %arg5[%swap3A_354], %swap3A_357 {strides = array<i32>} : memref<128xi32, #tpu.memory_space<vmem>>, vector<16xi32>,
    %dma_start3A_358 = arith.constant 0 : i32
    %dma_start3A_359 = arith.constant 0 : i32
    %dma_start3A_360 = tpu.memref_slice %arg2[%dma_start3A_358, %dma_start3A_359] : memref<32768x256xf32, #tpu.memory_space<hbm>> -> memref<32768x256xf32, #tpu.memory_space<hbm>>
    tpu.enqueue_indirect_dma source(%dma_start3A_360 : memref<32768x256xf32, #tpu.memory_space<hbm>>) target(%arg6 : memref<128x256xf32, #tpu.memory_space<vmem>>) offsets(%arg5 : memref<128xi32, #tpu.memory_space<vmem>>) semaphore(%arg7 : memref<!tpu.dma_semaphore, #tpu.memory_space<semaphore_mem>>)
    %dma_wait3A_361 = arith.constant 0 : i32
    %dma_wait3A_362 = arith.constant 0 : i32
    %dma_wait3A_363 = tpu.memref_slice %arg2[%dma_wait3A_361, %dma_wait3A_362] : memref<32768x256xf32, #tpu.memory_space<hbm>> -> memref<32768x256xf32, #tpu.memory_space<hbm>>
    tpu.wait_indirect_dma semaphore(%arg7 : memref<!tpu.dma_semaphore, #tpu.memory_space<semaphore_mem>>) src(%dma_wait3A_363 : memref<32768x256xf32, #tpu.memory_space<hbm>>) dst(%arg6 : memref<128x256xf32, #tpu.memory_space<vmem>>)
    "tpu.region"() ({
      %run_scoped3A = tpu.sem_alloc : memref<!tpu.dma_semaphore, #tpu.memory_space<semaphore_mem>>
      %dma_start3A_580 = arith.constant 0 : i32
      %dma_start3A_581 = tpu.memref_slice %arg4[%add3A_293, %dma_start3A_580] : memref<32768x256xf32, #tpu.memory_space<hbm>> -> memref<128x256xf32, #tpu.memory_space<hbm>>
      %dma_start3A_582 = arith.constant 0 : i32
      %dma_start3A_583 = tpu.memref_slice %arg4[%add3A_293, %dma_start3A_582] : memref<32768x256xf32, #tpu.memory_space<hbm>> -> memref<128x256xf32, #tpu.memory_space<hbm>>
      tpu.enqueue_dma source(%arg6 : memref<128x256xf32, #tpu.memory_space<vmem>>) target(%dma_start3A_583 : memref<128x256xf32, #tpu.memory_space<hbm>>) target_semaphore(%run_scoped3A : memref<!tpu.dma_semaphore, #tpu.memory_space<semaphore_mem>>)
      %dma_wait3A_584 = arith.constant 0 : i32
      %dma_wait3A_585 = tpu.memref_slice %arg4[%add3A_293, %dma_wait3A_584] : memref<32768x256xf32, #tpu.memory_space<hbm>> -> memref<128x256xf32, #tpu.memory_space<hbm>>
      %dma_wait3A_586 = arith.constant 0 : i32
      %dma_wait3A_587 = tpu.memref_slice %arg4[%add3A_293, %dma_wait3A_586] : memref<32768x256xf32, #tpu.memory_space<hbm>> -> memref<128x256xf32, #tpu.memory_space<hbm>>
      tpu.wait_dma2 semaphore(%run_scoped3A : memref<!tpu.dma_semaphore, #tpu.memory_space<semaphore_mem>>) src(%arg6 : memref<128x256xf32, #tpu.memory_space<vmem>>) dst(%dma_wait3A_587 : memref<128x256xf32, #tpu.memory_space<hbm>>)
      tpu.yield
    }) : () -> ()
    %add3A_364 = arith.constant 640 : i32
    %add3A_365 = arith.addi %mul3A_2, %add3A_364 : i32
    "tpu.region"() ({
      %run_scoped3A = tpu.sem_alloc : memref<!tpu.dma_semaphore, #tpu.memory_space<semaphore_mem>>
      %dma_start3A_580 = tpu.memref_slice %arg3[%add3A_365] : memref<32768xi32, #tpu.memory_space<hbm>> -> memref<128xi32, #tpu.memory_space<hbm>>
      %dma_start3A_581 = tpu.memref_slice %arg3[%add3A_365] : memref<32768xi32, #tpu.memory_space<hbm>> -> memref<128xi32, #tpu.memory_space<hbm>>
      tpu.enqueue_dma source(%dma_start3A_581 : memref<128xi32, #tpu.memory_space<hbm>>) target(%arg5 : memref<128xi32, #tpu.memory_space<vmem>>) target_semaphore(%run_scoped3A : memref<!tpu.dma_semaphore, #tpu.memory_space<semaphore_mem>>)
      %dma_wait3A_582 = tpu.memref_slice %arg3[%add3A_365] : memref<32768xi32, #tpu.memory_space<hbm>> -> memref<128xi32, #tpu.memory_space<hbm>>
      %dma_wait3A_583 = tpu.memref_slice %arg3[%add3A_365] : memref<32768xi32, #tpu.memory_space<hbm>> -> memref<128xi32, #tpu.memory_space<hbm>>
      tpu.wait_dma2 semaphore(%run_scoped3A : memref<!tpu.dma_semaphore, #tpu.memory_space<semaphore_mem>>) src(%dma_wait3A_583 : memref<128xi32, #tpu.memory_space<hbm>>) dst(%arg5 : memref<128xi32, #tpu.memory_space<vmem>>)
      tpu.yield
    }) : () -> ()
    %get3A_366 = arith.constant 0 : index
    %get3A_367 = tpu.vector_load %arg5[%get3A_366] {strides = array<i32>} : memref<128xi32, #tpu.memory_space<vmem>>, vector<16xi32>,
    %get3A_368 = vector.shape_cast %get3A_367 : vector<16xi32> to vector<16xi32>
    %add3A_369 = arith.addi %get3A_368, %mul3A_7 : vector<16xi32>
    %swap3A_370 = arith.constant 0 : index
    %swap3A_371 = tpu.vector_load %arg5[%swap3A_370] {strides = array<i32>} : memref<128xi32, #tpu.memory_space<vmem>>, vector<16xi32>,
    %swap3A_372 = vector.shape_cast %swap3A_371 : vector<16xi32> to vector<16xi32>
    %swap3A_373 = vector.shape_cast %add3A_369 : vector<16xi32> to vector<16xi32>
    tpu.vector_store %arg5[%swap3A_370], %swap3A_373 {strides = array<i32>} : memref<128xi32, #tpu.memory_space<vmem>>, vector<16xi32>,
    %get3A_374 = arith.constant 16 : index
    %get3A_375 = tpu.vector_load %arg5[%get3A_374] {strides = array<i32>} : memref<128xi32, #tpu.memory_space<vmem>>, vector<16xi32>,
    %get3A_376 = vector.shape_cast %get3A_375 : vector<16xi32> to vector<16xi32>
    %add3A_377 = arith.addi %get3A_376, %mul3A_7 : vector<16xi32>
    %swap3A_378 = arith.constant 16 : index
    %swap3A_379 = tpu.vector_load %arg5[%swap3A_378] {strides = array<i32>} : memref<128xi32, #tpu.memory_space<vmem>>, vector<16xi32>,
    %swap3A_380 = vector.shape_cast %swap3A_379 : vector<16xi32> to vector<16xi32>
    %swap3A_381 = vector.shape_cast %add3A_377 : vector<16xi32> to vector<16xi32>
    tpu.vector_store %arg5[%swap3A_378], %swap3A_381 {strides = array<i32>} : memref<128xi32, #tpu.memory_space<vmem>>, vector<16xi32>,
    %get3A_382 = arith.constant 32 : index
    %get3A_383 = tpu.vector_load %arg5[%get3A_382] {strides = array<i32>} : memref<128xi32, #tpu.memory_space<vmem>>, vector<16xi32>,
    %get3A_384 = vector.shape_cast %get3A_383 : vector<16xi32> to vector<16xi32>
    %add3A_385 = arith.addi %get3A_384, %mul3A_7 : vector<16xi32>
    %swap3A_386 = arith.constant 32 : index
    %swap3A_387 = tpu.vector_load %arg5[%swap3A_386] {strides = array<i32>} : memref<128xi32, #tpu.memory_space<vmem>>, vector<16xi32>,
    %swap3A_388 = vector.shape_cast %swap3A_387 : vector<16xi32> to vector<16xi32>
    %swap3A_389 = vector.shape_cast %add3A_385 : vector<16xi32> to vector<16xi32>
    tpu.vector_store %arg5[%swap3A_386], %swap3A_389 {strides = array<i32>} : memref<128xi32, #tpu.memory_space<vmem>>, vector<16xi32>,
    %get3A_390 = arith.constant 48 : index
    %get3A_391 = tpu.vector_load %arg5[%get3A_390] {strides = array<i32>} : memref<128xi32, #tpu.memory_space<vmem>>, vector<16xi32>,
    %get3A_392 = vector.shape_cast %get3A_391 : vector<16xi32> to vector<16xi32>
    %add3A_393 = arith.addi %get3A_392, %mul3A_7 : vector<16xi32>
    %swap3A_394 = arith.constant 48 : index
    %swap3A_395 = tpu.vector_load %arg5[%swap3A_394] {strides = array<i32>} : memref<128xi32, #tpu.memory_space<vmem>>, vector<16xi32>,
    %swap3A_396 = vector.shape_cast %swap3A_395 : vector<16xi32> to vector<16xi32>
    %swap3A_397 = vector.shape_cast %add3A_393 : vector<16xi32> to vector<16xi32>
    tpu.vector_store %arg5[%swap3A_394], %swap3A_397 {strides = array<i32>} : memref<128xi32, #tpu.memory_space<vmem>>, vector<16xi32>,
    %get3A_398 = arith.constant 64 : index
    %get3A_399 = tpu.vector_load %arg5[%get3A_398] {strides = array<i32>} : memref<128xi32, #tpu.memory_space<vmem>>, vector<16xi32>,
    %get3A_400 = vector.shape_cast %get3A_399 : vector<16xi32> to vector<16xi32>
    %add3A_401 = arith.addi %get3A_400, %mul3A_7 : vector<16xi32>
    %swap3A_402 = arith.constant 64 : index
    %swap3A_403 = tpu.vector_load %arg5[%swap3A_402] {strides = array<i32>} : memref<128xi32, #tpu.memory_space<vmem>>, vector<16xi32>,
    %swap3A_404 = vector.shape_cast %swap3A_403 : vector<16xi32> to vector<16xi32>
    %swap3A_405 = vector.shape_cast %add3A_401 : vector<16xi32> to vector<16xi32>
    tpu.vector_store %arg5[%swap3A_402], %swap3A_405 {strides = array<i32>} : memref<128xi32, #tpu.memory_space<vmem>>, vector<16xi32>,
    %get3A_406 = arith.constant 80 : index
    %get3A_407 = tpu.vector_load %arg5[%get3A_406] {strides = array<i32>} : memref<128xi32, #tpu.memory_space<vmem>>, vector<16xi32>,
    %get3A_408 = vector.shape_cast %get3A_407 : vector<16xi32> to vector<16xi32>
    %add3A_409 = arith.addi %get3A_408, %mul3A_7 : vector<16xi32>
    %swap3A_410 = arith.constant 80 : index
    %swap3A_411 = tpu.vector_load %arg5[%swap3A_410] {strides = array<i32>} : memref<128xi32, #tpu.memory_space<vmem>>, vector<16xi32>,
    %swap3A_412 = vector.shape_cast %swap3A_411 : vector<16xi32> to vector<16xi32>
    %swap3A_413 = vector.shape_cast %add3A_409 : vector<16xi32> to vector<16xi32>
    tpu.vector_store %arg5[%swap3A_410], %swap3A_413 {strides = array<i32>} : memref<128xi32, #tpu.memory_space<vmem>>, vector<16xi32>,
    %get3A_414 = arith.constant 96 : index
    %get3A_415 = tpu.vector_load %arg5[%get3A_414] {strides = array<i32>} : memref<128xi32, #tpu.memory_space<vmem>>, vector<16xi32>,
    %get3A_416 = vector.shape_cast %get3A_415 : vector<16xi32> to vector<16xi32>
    %add3A_417 = arith.addi %get3A_416, %mul3A_7 : vector<16xi32>
    %swap3A_418 = arith.constant 96 : index
    %swap3A_419 = tpu.vector_load %arg5[%swap3A_418] {strides = array<i32>} : memref<128xi32, #tpu.memory_space<vmem>>, vector<16xi32>,
    %swap3A_420 = vector.shape_cast %swap3A_419 : vector<16xi32> to vector<16xi32>
    %swap3A_421 = vector.shape_cast %add3A_417 : vector<16xi32> to vector<16xi32>
    tpu.vector_store %arg5[%swap3A_418], %swap3A_421 {strides = array<i32>} : memref<128xi32, #tpu.memory_space<vmem>>, vector<16xi32>,
    %get3A_422 = arith.constant 112 : index
    %get3A_423 = tpu.vector_load %arg5[%get3A_422] {strides = array<i32>} : memref<128xi32, #tpu.memory_space<vmem>>, vector<16xi32>,
    %get3A_424 = vector.shape_cast %get3A_423 : vector<16xi32> to vector<16xi32>
    %add3A_425 = arith.addi %get3A_424, %mul3A_7 : vector<16xi32>
    %swap3A_426 = arith.constant 112 : index
    %swap3A_427 = tpu.vector_load %arg5[%swap3A_426] {strides = array<i32>} : memref<128xi32, #tpu.memory_space<vmem>>, vector<16xi32>,
    %swap3A_428 = vector.shape_cast %swap3A_427 : vector<16xi32> to vector<16xi32>
    %swap3A_429 = vector.shape_cast %add3A_425 : vector<16xi32> to vector<16xi32>
    tpu.vector_store %arg5[%swap3A_426], %swap3A_429 {strides = array<i32>} : memref<128xi32, #tpu.memory_space<vmem>>, vector<16xi32>,
    %dma_start3A_430 = arith.constant 0 : i32
    %dma_start3A_431 = arith.constant 0 : i32
    %dma_start3A_432 = tpu.memref_slice %arg2[%dma_start3A_430, %dma_start3A_431] : memref<32768x256xf32, #tpu.memory_space<hbm>> -> memref<32768x256xf32, #tpu.memory_space<hbm>>
    tpu.enqueue_indirect_dma source(%dma_start3A_432 : memref<32768x256xf32, #tpu.memory_space<hbm>>) target(%arg6 : memref<128x256xf32, #tpu.memory_space<vmem>>) offsets(%arg5 : memref<128xi32, #tpu.memory_space<vmem>>) semaphore(%arg7 : memref<!tpu.dma_semaphore, #tpu.memory_space<semaphore_mem>>)
    %dma_wait3A_433 = arith.constant 0 : i32
    %dma_wait3A_434 = arith.constant 0 : i32
    %dma_wait3A_435 = tpu.memref_slice %arg2[%dma_wait3A_433, %dma_wait3A_434] : memref<32768x256xf32, #tpu.memory_space<hbm>> -> memref<32768x256xf32, #tpu.memory_space<hbm>>
    tpu.wait_indirect_dma semaphore(%arg7 : memref<!tpu.dma_semaphore, #tpu.memory_space<semaphore_mem>>) src(%dma_wait3A_435 : memref<32768x256xf32, #tpu.memory_space<hbm>>) dst(%arg6 : memref<128x256xf32, #tpu.memory_space<vmem>>)
    "tpu.region"() ({
      %run_scoped3A = tpu.sem_alloc : memref<!tpu.dma_semaphore, #tpu.memory_space<semaphore_mem>>
      %dma_start3A_580 = arith.constant 0 : i32
      %dma_start3A_581 = tpu.memref_slice %arg4[%add3A_365, %dma_start3A_580] : memref<32768x256xf32, #tpu.memory_space<hbm>> -> memref<128x256xf32, #tpu.memory_space<hbm>>
      %dma_start3A_582 = arith.constant 0 : i32
      %dma_start3A_583 = tpu.memref_slice %arg4[%add3A_365, %dma_start3A_582] : memref<32768x256xf32, #tpu.memory_space<hbm>> -> memref<128x256xf32, #tpu.memory_space<hbm>>
      tpu.enqueue_dma source(%arg6 : memref<128x256xf32, #tpu.memory_space<vmem>>) target(%dma_start3A_583 : memref<128x256xf32, #tpu.memory_space<hbm>>) target_semaphore(%run_scoped3A : memref<!tpu.dma_semaphore, #tpu.memory_space<semaphore_mem>>)
      %dma_wait3A_584 = arith.constant 0 : i32
      %dma_wait3A_585 = tpu.memref_slice %arg4[%add3A_365, %dma_wait3A_584] : memref<32768x256xf32, #tpu.memory_space<hbm>> -> memref<128x256xf32, #tpu.memory_space<hbm>>
      %dma_wait3A_586 = arith.constant 0 : i32
      %dma_wait3A_587 = tpu.memref_slice %arg4[%add3A_365, %dma_wait3A_586] : memref<32768x256xf32, #tpu.memory_space<hbm>> -> memref<128x256xf32, #tpu.memory_space<hbm>>
      tpu.wait_dma2 semaphore(%run_scoped3A : memref<!tpu.dma_semaphore, #tpu.memory_space<semaphore_mem>>) src(%arg6 : memref<128x256xf32, #tpu.memory_space<vmem>>) dst(%dma_wait3A_587 : memref<128x256xf32, #tpu.memory_space<hbm>>)
      tpu.yield
    }) : () -> ()
    %add3A_436 = arith.constant 768 : i32
    %add3A_437 = arith.addi %mul3A_2, %add3A_436 : i32
    "tpu.region"() ({
      %run_scoped3A = tpu.sem_alloc : memref<!tpu.dma_semaphore, #tpu.memory_space<semaphore_mem>>
      %dma_start3A_580 = tpu.memref_slice %arg3[%add3A_437] : memref<32768xi32, #tpu.memory_space<hbm>> -> memref<128xi32, #tpu.memory_space<hbm>>
      %dma_start3A_581 = tpu.memref_slice %arg3[%add3A_437] : memref<32768xi32, #tpu.memory_space<hbm>> -> memref<128xi32, #tpu.memory_space<hbm>>
      tpu.enqueue_dma source(%dma_start3A_581 : memref<128xi32, #tpu.memory_space<hbm>>) target(%arg5 : memref<128xi32, #tpu.memory_space<vmem>>) target_semaphore(%run_scoped3A : memref<!tpu.dma_semaphore, #tpu.memory_space<semaphore_mem>>)
      %dma_wait3A_582 = tpu.memref_slice %arg3[%add3A_437] : memref<32768xi32, #tpu.memory_space<hbm>> -> memref<128xi32, #tpu.memory_space<hbm>>
      %dma_wait3A_583 = tpu.memref_slice %arg3[%add3A_437] : memref<32768xi32, #tpu.memory_space<hbm>> -> memref<128xi32, #tpu.memory_space<hbm>>
      tpu.wait_dma2 semaphore(%run_scoped3A : memref<!tpu.dma_semaphore, #tpu.memory_space<semaphore_mem>>) src(%dma_wait3A_583 : memref<128xi32, #tpu.memory_space<hbm>>) dst(%arg5 : memref<128xi32, #tpu.memory_space<vmem>>)
      tpu.yield
    }) : () -> ()
    %get3A_438 = arith.constant 0 : index
    %get3A_439 = tpu.vector_load %arg5[%get3A_438] {strides = array<i32>} : memref<128xi32, #tpu.memory_space<vmem>>, vector<16xi32>,
    %get3A_440 = vector.shape_cast %get3A_439 : vector<16xi32> to vector<16xi32>
    %add3A_441 = arith.addi %get3A_440, %mul3A_7 : vector<16xi32>
    %swap3A_442 = arith.constant 0 : index
    %swap3A_443 = tpu.vector_load %arg5[%swap3A_442] {strides = array<i32>} : memref<128xi32, #tpu.memory_space<vmem>>, vector<16xi32>,
    %swap3A_444 = vector.shape_cast %swap3A_443 : vector<16xi32> to vector<16xi32>
    %swap3A_445 = vector.shape_cast %add3A_441 : vector<16xi32> to vector<16xi32>
    tpu.vector_store %arg5[%swap3A_442], %swap3A_445 {strides = array<i32>} : memref<128xi32, #tpu.memory_space<vmem>>, vector<16xi32>,
    %get3A_446 = arith.constant 16 : index
    %get3A_447 = tpu.vector_load %arg5[%get3A_446] {strides = array<i32>} : memref<128xi32, #tpu.memory_space<vmem>>, vector<16xi32>,
    %get3A_448 = vector.shape_cast %get3A_447 : vector<16xi32> to vector<16xi32>
    %add3A_449 = arith.addi %get3A_448, %mul3A_7 : vector<16xi32>
    %swap3A_450 = arith.constant 16 : index
    %swap3A_451 = tpu.vector_load %arg5[%swap3A_450] {strides = array<i32>} : memref<128xi32, #tpu.memory_space<vmem>>, vector<16xi32>,
    %swap3A_452 = vector.shape_cast %swap3A_451 : vector<16xi32> to vector<16xi32>
    %swap3A_453 = vector.shape_cast %add3A_449 : vector<16xi32> to vector<16xi32>
    tpu.vector_store %arg5[%swap3A_450], %swap3A_453 {strides = array<i32>} : memref<128xi32, #tpu.memory_space<vmem>>, vector<16xi32>,
    %get3A_454 = arith.constant 32 : index
    %get3A_455 = tpu.vector_load %arg5[%get3A_454] {strides = array<i32>} : memref<128xi32, #tpu.memory_space<vmem>>, vector<16xi32>,
    %get3A_456 = vector.shape_cast %get3A_455 : vector<16xi32> to vector<16xi32>
    %add3A_457 = arith.addi %get3A_456, %mul3A_7 : vector<16xi32>
    %swap3A_458 = arith.constant 32 : index
    %swap3A_459 = tpu.vector_load %arg5[%swap3A_458] {strides = array<i32>} : memref<128xi32, #tpu.memory_space<vmem>>, vector<16xi32>,
    %swap3A_460 = vector.shape_cast %swap3A_459 : vector<16xi32> to vector<16xi32>
    %swap3A_461 = vector.shape_cast %add3A_457 : vector<16xi32> to vector<16xi32>
    tpu.vector_store %arg5[%swap3A_458], %swap3A_461 {strides = array<i32>} : memref<128xi32, #tpu.memory_space<vmem>>, vector<16xi32>,
    %get3A_462 = arith.constant 48 : index
    %get3A_463 = tpu.vector_load %arg5[%get3A_462] {strides = array<i32>} : memref<128xi32, #tpu.memory_space<vmem>>, vector<16xi32>,
    %get3A_464 = vector.shape_cast %get3A_463 : vector<16xi32> to vector<16xi32>
    %add3A_465 = arith.addi %get3A_464, %mul3A_7 : vector<16xi32>
    %swap3A_466 = arith.constant 48 : index
    %swap3A_467 = tpu.vector_load %arg5[%swap3A_466] {strides = array<i32>} : memref<128xi32, #tpu.memory_space<vmem>>, vector<16xi32>,
    %swap3A_468 = vector.shape_cast %swap3A_467 : vector<16xi32> to vector<16xi32>
    %swap3A_469 = vector.shape_cast %add3A_465 : vector<16xi32> to vector<16xi32>
    tpu.vector_store %arg5[%swap3A_466], %swap3A_469 {strides = array<i32>} : memref<128xi32, #tpu.memory_space<vmem>>, vector<16xi32>,
    %get3A_470 = arith.constant 64 : index
    %get3A_471 = tpu.vector_load %arg5[%get3A_470] {strides = array<i32>} : memref<128xi32, #tpu.memory_space<vmem>>, vector<16xi32>,
    %get3A_472 = vector.shape_cast %get3A_471 : vector<16xi32> to vector<16xi32>
    %add3A_473 = arith.addi %get3A_472, %mul3A_7 : vector<16xi32>
    %swap3A_474 = arith.constant 64 : index
    %swap3A_475 = tpu.vector_load %arg5[%swap3A_474] {strides = array<i32>} : memref<128xi32, #tpu.memory_space<vmem>>, vector<16xi32>,
    %swap3A_476 = vector.shape_cast %swap3A_475 : vector<16xi32> to vector<16xi32>
    %swap3A_477 = vector.shape_cast %add3A_473 : vector<16xi32> to vector<16xi32>
    tpu.vector_store %arg5[%swap3A_474], %swap3A_477 {strides = array<i32>} : memref<128xi32, #tpu.memory_space<vmem>>, vector<16xi32>,
    %get3A_478 = arith.constant 80 : index
    %get3A_479 = tpu.vector_load %arg5[%get3A_478] {strides = array<i32>} : memref<128xi32, #tpu.memory_space<vmem>>, vector<16xi32>,
    %get3A_480 = vector.shape_cast %get3A_479 : vector<16xi32> to vector<16xi32>
    %add3A_481 = arith.addi %get3A_480, %mul3A_7 : vector<16xi32>
    %swap3A_482 = arith.constant 80 : index
    %swap3A_483 = tpu.vector_load %arg5[%swap3A_482] {strides = array<i32>} : memref<128xi32, #tpu.memory_space<vmem>>, vector<16xi32>,
    %swap3A_484 = vector.shape_cast %swap3A_483 : vector<16xi32> to vector<16xi32>
    %swap3A_485 = vector.shape_cast %add3A_481 : vector<16xi32> to vector<16xi32>
    tpu.vector_store %arg5[%swap3A_482], %swap3A_485 {strides = array<i32>} : memref<128xi32, #tpu.memory_space<vmem>>, vector<16xi32>,
    %get3A_486 = arith.constant 96 : index
    %get3A_487 = tpu.vector_load %arg5[%get3A_486] {strides = array<i32>} : memref<128xi32, #tpu.memory_space<vmem>>, vector<16xi32>,
    %get3A_488 = vector.shape_cast %get3A_487 : vector<16xi32> to vector<16xi32>
    %add3A_489 = arith.addi %get3A_488, %mul3A_7 : vector<16xi32>
    %swap3A_490 = arith.constant 96 : index
    %swap3A_491 = tpu.vector_load %arg5[%swap3A_490] {strides = array<i32>} : memref<128xi32, #tpu.memory_space<vmem>>, vector<16xi32>,
    %swap3A_492 = vector.shape_cast %swap3A_491 : vector<16xi32> to vector<16xi32>
    %swap3A_493 = vector.shape_cast %add3A_489 : vector<16xi32> to vector<16xi32>
    tpu.vector_store %arg5[%swap3A_490], %swap3A_493 {strides = array<i32>} : memref<128xi32, #tpu.memory_space<vmem>>, vector<16xi32>,
    %get3A_494 = arith.constant 112 : index
    %get3A_495 = tpu.vector_load %arg5[%get3A_494] {strides = array<i32>} : memref<128xi32, #tpu.memory_space<vmem>>, vector<16xi32>,
    %get3A_496 = vector.shape_cast %get3A_495 : vector<16xi32> to vector<16xi32>
    %add3A_497 = arith.addi %get3A_496, %mul3A_7 : vector<16xi32>
    %swap3A_498 = arith.constant 112 : index
    %swap3A_499 = tpu.vector_load %arg5[%swap3A_498] {strides = array<i32>} : memref<128xi32, #tpu.memory_space<vmem>>, vector<16xi32>,
    %swap3A_500 = vector.shape_cast %swap3A_499 : vector<16xi32> to vector<16xi32>
    %swap3A_501 = vector.shape_cast %add3A_497 : vector<16xi32> to vector<16xi32>
    tpu.vector_store %arg5[%swap3A_498], %swap3A_501 {strides = array<i32>} : memref<128xi32, #tpu.memory_space<vmem>>, vector<16xi32>,
    %dma_start3A_502 = arith.constant 0 : i32
    %dma_start3A_503 = arith.constant 0 : i32
    %dma_start3A_504 = tpu.memref_slice %arg2[%dma_start3A_502, %dma_start3A_503] : memref<32768x256xf32, #tpu.memory_space<hbm>> -> memref<32768x256xf32, #tpu.memory_space<hbm>>
    tpu.enqueue_indirect_dma source(%dma_start3A_504 : memref<32768x256xf32, #tpu.memory_space<hbm>>) target(%arg6 : memref<128x256xf32, #tpu.memory_space<vmem>>) offsets(%arg5 : memref<128xi32, #tpu.memory_space<vmem>>) semaphore(%arg7 : memref<!tpu.dma_semaphore, #tpu.memory_space<semaphore_mem>>)
    %dma_wait3A_505 = arith.constant 0 : i32
    %dma_wait3A_506 = arith.constant 0 : i32
    %dma_wait3A_507 = tpu.memref_slice %arg2[%dma_wait3A_505, %dma_wait3A_506] : memref<32768x256xf32, #tpu.memory_space<hbm>> -> memref<32768x256xf32, #tpu.memory_space<hbm>>
    tpu.wait_indirect_dma semaphore(%arg7 : memref<!tpu.dma_semaphore, #tpu.memory_space<semaphore_mem>>) src(%dma_wait3A_507 : memref<32768x256xf32, #tpu.memory_space<hbm>>) dst(%arg6 : memref<128x256xf32, #tpu.memory_space<vmem>>)
    "tpu.region"() ({
      %run_scoped3A = tpu.sem_alloc : memref<!tpu.dma_semaphore, #tpu.memory_space<semaphore_mem>>
      %dma_start3A_580 = arith.constant 0 : i32
      %dma_start3A_581 = tpu.memref_slice %arg4[%add3A_437, %dma_start3A_580] : memref<32768x256xf32, #tpu.memory_space<hbm>> -> memref<128x256xf32, #tpu.memory_space<hbm>>
      %dma_start3A_582 = arith.constant 0 : i32
      %dma_start3A_583 = tpu.memref_slice %arg4[%add3A_437, %dma_start3A_582] : memref<32768x256xf32, #tpu.memory_space<hbm>> -> memref<128x256xf32, #tpu.memory_space<hbm>>
      tpu.enqueue_dma source(%arg6 : memref<128x256xf32, #tpu.memory_space<vmem>>) target(%dma_start3A_583 : memref<128x256xf32, #tpu.memory_space<hbm>>) target_semaphore(%run_scoped3A : memref<!tpu.dma_semaphore, #tpu.memory_space<semaphore_mem>>)
      %dma_wait3A_584 = arith.constant 0 : i32
      %dma_wait3A_585 = tpu.memref_slice %arg4[%add3A_437, %dma_wait3A_584] : memref<32768x256xf32, #tpu.memory_space<hbm>> -> memref<128x256xf32, #tpu.memory_space<hbm>>
      %dma_wait3A_586 = arith.constant 0 : i32
      %dma_wait3A_587 = tpu.memref_slice %arg4[%add3A_437, %dma_wait3A_586] : memref<32768x256xf32, #tpu.memory_space<hbm>> -> memref<128x256xf32, #tpu.memory_space<hbm>>
      tpu.wait_dma2 semaphore(%run_scoped3A : memref<!tpu.dma_semaphore, #tpu.memory_space<semaphore_mem>>) src(%arg6 : memref<128x256xf32, #tpu.memory_space<vmem>>) dst(%dma_wait3A_587 : memref<128x256xf32, #tpu.memory_space<hbm>>)
      tpu.yield
    }) : () -> ()
    %add3A_508 = arith.constant 896 : i32
    %add3A_509 = arith.addi %mul3A_2, %add3A_508 : i32
    "tpu.region"() ({
      %run_scoped3A = tpu.sem_alloc : memref<!tpu.dma_semaphore, #tpu.memory_space<semaphore_mem>>
      %dma_start3A_580 = tpu.memref_slice %arg3[%add3A_509] : memref<32768xi32, #tpu.memory_space<hbm>> -> memref<128xi32, #tpu.memory_space<hbm>>
      %dma_start3A_581 = tpu.memref_slice %arg3[%add3A_509] : memref<32768xi32, #tpu.memory_space<hbm>> -> memref<128xi32, #tpu.memory_space<hbm>>
      tpu.enqueue_dma source(%dma_start3A_581 : memref<128xi32, #tpu.memory_space<hbm>>) target(%arg5 : memref<128xi32, #tpu.memory_space<vmem>>) target_semaphore(%run_scoped3A : memref<!tpu.dma_semaphore, #tpu.memory_space<semaphore_mem>>)
      %dma_wait3A_582 = tpu.memref_slice %arg3[%add3A_509] : memref<32768xi32, #tpu.memory_space<hbm>> -> memref<128xi32, #tpu.memory_space<hbm>>
      %dma_wait3A_583 = tpu.memref_slice %arg3[%add3A_509] : memref<32768xi32, #tpu.memory_space<hbm>> -> memref<128xi32, #tpu.memory_space<hbm>>
      tpu.wait_dma2 semaphore(%run_scoped3A : memref<!tpu.dma_semaphore, #tpu.memory_space<semaphore_mem>>) src(%dma_wait3A_583 : memref<128xi32, #tpu.memory_space<hbm>>) dst(%arg5 : memref<128xi32, #tpu.memory_space<vmem>>)
      tpu.yield
    }) : () -> ()
    %get3A_510 = arith.constant 0 : index
    %get3A_511 = tpu.vector_load %arg5[%get3A_510] {strides = array<i32>} : memref<128xi32, #tpu.memory_space<vmem>>, vector<16xi32>,
    %get3A_512 = vector.shape_cast %get3A_511 : vector<16xi32> to vector<16xi32>
    %add3A_513 = arith.addi %get3A_512, %mul3A_7 : vector<16xi32>
    %swap3A_514 = arith.constant 0 : index
    %swap3A_515 = tpu.vector_load %arg5[%swap3A_514] {strides = array<i32>} : memref<128xi32, #tpu.memory_space<vmem>>, vector<16xi32>,
    %swap3A_516 = vector.shape_cast %swap3A_515 : vector<16xi32> to vector<16xi32>
    %swap3A_517 = vector.shape_cast %add3A_513 : vector<16xi32> to vector<16xi32>
    tpu.vector_store %arg5[%swap3A_514], %swap3A_517 {strides = array<i32>} : memref<128xi32, #tpu.memory_space<vmem>>, vector<16xi32>,
    %get3A_518 = arith.constant 16 : index
    %get3A_519 = tpu.vector_load %arg5[%get3A_518] {strides = array<i32>} : memref<128xi32, #tpu.memory_space<vmem>>, vector<16xi32>,
    %get3A_520 = vector.shape_cast %get3A_519 : vector<16xi32> to vector<16xi32>
    %add3A_521 = arith.addi %get3A_520, %mul3A_7 : vector<16xi32>
    %swap3A_522 = arith.constant 16 : index
    %swap3A_523 = tpu.vector_load %arg5[%swap3A_522] {strides = array<i32>} : memref<128xi32, #tpu.memory_space<vmem>>, vector<16xi32>,
    %swap3A_524 = vector.shape_cast %swap3A_523 : vector<16xi32> to vector<16xi32>
    %swap3A_525 = vector.shape_cast %add3A_521 : vector<16xi32> to vector<16xi32>
    tpu.vector_store %arg5[%swap3A_522], %swap3A_525 {strides = array<i32>} : memref<128xi32, #tpu.memory_space<vmem>>, vector<16xi32>,
    %get3A_526 = arith.constant 32 : index
    %get3A_527 = tpu.vector_load %arg5[%get3A_526] {strides = array<i32>} : memref<128xi32, #tpu.memory_space<vmem>>, vector<16xi32>,
    %get3A_528 = vector.shape_cast %get3A_527 : vector<16xi32> to vector<16xi32>
    %add3A_529 = arith.addi %get3A_528, %mul3A_7 : vector<16xi32>
    %swap3A_530 = arith.constant 32 : index
    %swap3A_531 = tpu.vector_load %arg5[%swap3A_530] {strides = array<i32>} : memref<128xi32, #tpu.memory_space<vmem>>, vector<16xi32>,
    %swap3A_532 = vector.shape_cast %swap3A_531 : vector<16xi32> to vector<16xi32>
    %swap3A_533 = vector.shape_cast %add3A_529 : vector<16xi32> to vector<16xi32>
    tpu.vector_store %arg5[%swap3A_530], %swap3A_533 {strides = array<i32>} : memref<128xi32, #tpu.memory_space<vmem>>, vector<16xi32>,
    %get3A_534 = arith.constant 48 : index
    %get3A_535 = tpu.vector_load %arg5[%get3A_534] {strides = array<i32>} : memref<128xi32, #tpu.memory_space<vmem>>, vector<16xi32>,
    %get3A_536 = vector.shape_cast %get3A_535 : vector<16xi32> to vector<16xi32>
    %add3A_537 = arith.addi %get3A_536, %mul3A_7 : vector<16xi32>
    %swap3A_538 = arith.constant 48 : index
    %swap3A_539 = tpu.vector_load %arg5[%swap3A_538] {strides = array<i32>} : memref<128xi32, #tpu.memory_space<vmem>>, vector<16xi32>,
    %swap3A_540 = vector.shape_cast %swap3A_539 : vector<16xi32> to vector<16xi32>
    %swap3A_541 = vector.shape_cast %add3A_537 : vector<16xi32> to vector<16xi32>
    tpu.vector_store %arg5[%swap3A_538], %swap3A_541 {strides = array<i32>} : memref<128xi32, #tpu.memory_space<vmem>>, vector<16xi32>,
    %get3A_542 = arith.constant 64 : index
    %get3A_543 = tpu.vector_load %arg5[%get3A_542] {strides = array<i32>} : memref<128xi32, #tpu.memory_space<vmem>>, vector<16xi32>,
    %get3A_544 = vector.shape_cast %get3A_543 : vector<16xi32> to vector<16xi32>
    %add3A_545 = arith.addi %get3A_544, %mul3A_7 : vector<16xi32>
    %swap3A_546 = arith.constant 64 : index
    %swap3A_547 = tpu.vector_load %arg5[%swap3A_546] {strides = array<i32>} : memref<128xi32, #tpu.memory_space<vmem>>, vector<16xi32>,
    %swap3A_548 = vector.shape_cast %swap3A_547 : vector<16xi32> to vector<16xi32>
    %swap3A_549 = vector.shape_cast %add3A_545 : vector<16xi32> to vector<16xi32>
    tpu.vector_store %arg5[%swap3A_546], %swap3A_549 {strides = array<i32>} : memref<128xi32, #tpu.memory_space<vmem>>, vector<16xi32>,
    %get3A_550 = arith.constant 80 : index
    %get3A_551 = tpu.vector_load %arg5[%get3A_550] {strides = array<i32>} : memref<128xi32, #tpu.memory_space<vmem>>, vector<16xi32>,
    %get3A_552 = vector.shape_cast %get3A_551 : vector<16xi32> to vector<16xi32>
    %add3A_553 = arith.addi %get3A_552, %mul3A_7 : vector<16xi32>
    %swap3A_554 = arith.constant 80 : index
    %swap3A_555 = tpu.vector_load %arg5[%swap3A_554] {strides = array<i32>} : memref<128xi32, #tpu.memory_space<vmem>>, vector<16xi32>,
    %swap3A_556 = vector.shape_cast %swap3A_555 : vector<16xi32> to vector<16xi32>
    %swap3A_557 = vector.shape_cast %add3A_553 : vector<16xi32> to vector<16xi32>
    tpu.vector_store %arg5[%swap3A_554], %swap3A_557 {strides = array<i32>} : memref<128xi32, #tpu.memory_space<vmem>>, vector<16xi32>,
    %get3A_558 = arith.constant 96 : index
    %get3A_559 = tpu.vector_load %arg5[%get3A_558] {strides = array<i32>} : memref<128xi32, #tpu.memory_space<vmem>>, vector<16xi32>,
    %get3A_560 = vector.shape_cast %get3A_559 : vector<16xi32> to vector<16xi32>
    %add3A_561 = arith.addi %get3A_560, %mul3A_7 : vector<16xi32>
    %swap3A_562 = arith.constant 96 : index
    %swap3A_563 = tpu.vector_load %arg5[%swap3A_562] {strides = array<i32>} : memref<128xi32, #tpu.memory_space<vmem>>, vector<16xi32>,
    %swap3A_564 = vector.shape_cast %swap3A_563 : vector<16xi32> to vector<16xi32>
    %swap3A_565 = vector.shape_cast %add3A_561 : vector<16xi32> to vector<16xi32>
    tpu.vector_store %arg5[%swap3A_562], %swap3A_565 {strides = array<i32>} : memref<128xi32, #tpu.memory_space<vmem>>, vector<16xi32>,
    %get3A_566 = arith.constant 112 : index
    %get3A_567 = tpu.vector_load %arg5[%get3A_566] {strides = array<i32>} : memref<128xi32, #tpu.memory_space<vmem>>, vector<16xi32>,
    %get3A_568 = vector.shape_cast %get3A_567 : vector<16xi32> to vector<16xi32>
    %add3A_569 = arith.addi %get3A_568, %mul3A_7 : vector<16xi32>
    %swap3A_570 = arith.constant 112 : index
    %swap3A_571 = tpu.vector_load %arg5[%swap3A_570] {strides = array<i32>} : memref<128xi32, #tpu.memory_space<vmem>>, vector<16xi32>,
    %swap3A_572 = vector.shape_cast %swap3A_571 : vector<16xi32> to vector<16xi32>
    %swap3A_573 = vector.shape_cast %add3A_569 : vector<16xi32> to vector<16xi32>
    tpu.vector_store %arg5[%swap3A_570], %swap3A_573 {strides = array<i32>} : memref<128xi32, #tpu.memory_space<vmem>>, vector<16xi32>,
    %dma_start3A_574 = arith.constant 0 : i32
    %dma_start3A_575 = arith.constant 0 : i32
    %dma_start3A_576 = tpu.memref_slice %arg2[%dma_start3A_574, %dma_start3A_575] : memref<32768x256xf32, #tpu.memory_space<hbm>> -> memref<32768x256xf32, #tpu.memory_space<hbm>>
    tpu.enqueue_indirect_dma source(%dma_start3A_576 : memref<32768x256xf32, #tpu.memory_space<hbm>>) target(%arg6 : memref<128x256xf32, #tpu.memory_space<vmem>>) offsets(%arg5 : memref<128xi32, #tpu.memory_space<vmem>>) semaphore(%arg7 : memref<!tpu.dma_semaphore, #tpu.memory_space<semaphore_mem>>)
    %dma_wait3A_577 = arith.constant 0 : i32
    %dma_wait3A_578 = arith.constant 0 : i32
    %dma_wait3A_579 = tpu.memref_slice %arg2[%dma_wait3A_577, %dma_wait3A_578] : memref<32768x256xf32, #tpu.memory_space<hbm>> -> memref<32768x256xf32, #tpu.memory_space<hbm>>
    tpu.wait_indirect_dma semaphore(%arg7 : memref<!tpu.dma_semaphore, #tpu.memory_space<semaphore_mem>>) src(%dma_wait3A_579 : memref<32768x256xf32, #tpu.memory_space<hbm>>) dst(%arg6 : memref<128x256xf32, #tpu.memory_space<vmem>>)
    "tpu.region"() ({
      %run_scoped3A = tpu.sem_alloc : memref<!tpu.dma_semaphore, #tpu.memory_space<semaphore_mem>>
      %dma_start3A_580 = arith.constant 0 : i32
      %dma_start3A_581 = tpu.memref_slice %arg4[%add3A_509, %dma_start3A_580] : memref<32768x256xf32, #tpu.memory_space<hbm>> -> memref<128x256xf32, #tpu.memory_space<hbm>>
      %dma_start3A_582 = arith.constant 0 : i32
      %dma_start3A_583 = tpu.memref_slice %arg4[%add3A_509, %dma_start3A_582] : memref<32768x256xf32, #tpu.memory_space<hbm>> -> memref<128x256xf32, #tpu.memory_space<hbm>>
      tpu.enqueue_dma source(%arg6 : memref<128x256xf32, #tpu.memory_space<vmem>>) target(%dma_start3A_583 : memref<128x256xf32, #tpu.memory_space<hbm>>) target_semaphore(%run_scoped3A : memref<!tpu.dma_semaphore, #tpu.memory_space<semaphore_mem>>)
      %dma_wait3A_584 = arith.constant 0 : i32
      %dma_wait3A_585 = tpu.memref_slice %arg4[%add3A_509, %dma_wait3A_584] : memref<32768x256xf32, #tpu.memory_space<hbm>> -> memref<128x256xf32, #tpu.memory_space<hbm>>
      %dma_wait3A_586 = arith.constant 0 : i32
      %dma_wait3A_587 = tpu.memref_slice %arg4[%add3A_509, %dma_wait3A_586] : memref<32768x256xf32, #tpu.memory_space<hbm>> -> memref<128x256xf32, #tpu.memory_space<hbm>>
      tpu.wait_dma2 semaphore(%run_scoped3A : memref<!tpu.dma_semaphore, #tpu.memory_space<semaphore_mem>>) src(%arg6 : memref<128x256xf32, #tpu.memory_space<vmem>>) dst(%dma_wait3A_587 : memref<128x256xf32, #tpu.memory_space<hbm>>)
      tpu.yield
    }) : () -> ()
    return
  }
}

module attributes {stable_mosaic.version = 14 : i64} {
  func.func @_dist_body(%arg0: i32, %arg1: i32, %arg2: memref<512x256xf32, #tpu.memory_space<vmem>>, %arg3: memref<1x8192x256xf32, #tpu.memory_space<vmem>>, %arg4: memref<1x1x512xi32, #tpu.memory_space<vmem>>, %arg5: memref<8192x1xf32, #tpu.memory_space<vmem>>) attributes {dimension_semantics = [#tpu.dimension_semantics<arbitrary>, #tpu.dimension_semantics<arbitrary>], iteration_bounds = array<i64: 4, 16>, scalar_prefetch = 0 : i64, scratch_operands = 1 : i64, tpu.core_type = #tpu.core_type<tc>, window_params = [{transform_indices = @transform_0, window_bounds = array<i64: 512, 256>}, {transform_indices = @transform_1, window_bounds = array<i64: 1, 8192, 256>}, {transform_indices = @transform_2, window_bounds = array<i64: 1, 1, 512>}]} {
    %eq3A = arith.constant 0 : i32
    %eq3A_0 = arith.cmpi eq, %arg1, %eq3A : i32
    %convert_element_type3A = arith.extui %eq3A_0 : i1 to i32
    %cond3A = arith.constant 0 : i32
    %cond3A_1 = arith.cmpi ne, %convert_element_type3A, %cond3A : i32
    scf.if %cond3A_1 {
      %get3A_91 = arith.constant 0 : index
      %get3A_92 = arith.constant 0 : index
      %get3A_93 = arith.constant 0 : index
      %get3A_94 = vector.load %arg3[%get3A_91, %get3A_92, %get3A_93] : memref<1x8192x256xf32, #tpu.memory_space<vmem>>, vector<1x2048x256xf32>
      %get3A_95 = vector.shape_cast %get3A_94 : vector<1x2048x256xf32> to vector<2048x256xf32>
      %mul3A_96 = arith.mulf %get3A_95, %get3A_95 : vector<2048x256xf32>
      %reduce_sum3A = arith.constant dense<0.000000e+00> : vector<2048xf32>
      %reduce_sum3A_97 = vector.multi_reduction <add>, %mul3A_96, %reduce_sum3A [1] : vector<2048x256xf32> to vector<2048xf32>
      %broadcast_in_dim3A_98 = vector.shape_cast %reduce_sum3A_97 : vector<2048xf32> to vector<2048x1xf32>
      %swap3A_99 = arith.constant 0 : index
      %swap3A_100 = arith.constant 0 : index
      %swap3A_101 = vector.load %arg5[%swap3A_99, %swap3A_100] : memref<8192x1xf32, #tpu.memory_space<vmem>>, vector<2048x1xf32>
      tpu.vector_store %arg5[%swap3A_99, %swap3A_100], %broadcast_in_dim3A_98 {strides = array<i32>} : memref<8192x1xf32, #tpu.memory_space<vmem>>, vector<2048x1xf32>,
      %get3A_102 = arith.constant 0 : index
      %get3A_103 = arith.constant 2048 : index
      %get3A_104 = arith.constant 0 : index
      %get3A_105 = vector.load %arg3[%get3A_102, %get3A_103, %get3A_104] : memref<1x8192x256xf32, #tpu.memory_space<vmem>>, vector<1x2048x256xf32>
      %get3A_106 = vector.shape_cast %get3A_105 : vector<1x2048x256xf32> to vector<2048x256xf32>
      %mul3A_107 = arith.mulf %get3A_106, %get3A_106 : vector<2048x256xf32>
      %reduce_sum3A_108 = arith.constant dense<0.000000e+00> : vector<2048xf32>
      %reduce_sum3A_109 = vector.multi_reduction <add>, %mul3A_107, %reduce_sum3A_108 [1] : vector<2048x256xf32> to vector<2048xf32>
      %broadcast_in_dim3A_110 = vector.shape_cast %reduce_sum3A_109 : vector<2048xf32> to vector<2048x1xf32>
      %swap3A_111 = arith.constant 2048 : index
      %swap3A_112 = arith.constant 0 : index
      %swap3A_113 = vector.load %arg5[%swap3A_111, %swap3A_112] : memref<8192x1xf32, #tpu.memory_space<vmem>>, vector<2048x1xf32>
      tpu.vector_store %arg5[%swap3A_111, %swap3A_112], %broadcast_in_dim3A_110 {strides = array<i32>} : memref<8192x1xf32, #tpu.memory_space<vmem>>, vector<2048x1xf32>,
      %get3A_114 = arith.constant 0 : index
      %get3A_115 = arith.constant 4096 : index
      %get3A_116 = arith.constant 0 : index
      %get3A_117 = vector.load %arg3[%get3A_114, %get3A_115, %get3A_116] : memref<1x8192x256xf32, #tpu.memory_space<vmem>>, vector<1x2048x256xf32>
      %get3A_118 = vector.shape_cast %get3A_117 : vector<1x2048x256xf32> to vector<2048x256xf32>
      %mul3A_119 = arith.mulf %get3A_118, %get3A_118 : vector<2048x256xf32>
      %reduce_sum3A_120 = arith.constant dense<0.000000e+00> : vector<2048xf32>
      %reduce_sum3A_121 = vector.multi_reduction <add>, %mul3A_119, %reduce_sum3A_120 [1] : vector<2048x256xf32> to vector<2048xf32>
      %broadcast_in_dim3A_122 = vector.shape_cast %reduce_sum3A_121 : vector<2048xf32> to vector<2048x1xf32>
      %swap3A_123 = arith.constant 4096 : index
      %swap3A_124 = arith.constant 0 : index
      %swap3A_125 = vector.load %arg5[%swap3A_123, %swap3A_124] : memref<8192x1xf32, #tpu.memory_space<vmem>>, vector<2048x1xf32>
      tpu.vector_store %arg5[%swap3A_123, %swap3A_124], %broadcast_in_dim3A_122 {strides = array<i32>} : memref<8192x1xf32, #tpu.memory_space<vmem>>, vector<2048x1xf32>,
      %get3A_126 = arith.constant 0 : index
      %get3A_127 = arith.constant 6144 : index
      %get3A_128 = arith.constant 0 : index
      %get3A_129 = vector.load %arg3[%get3A_126, %get3A_127, %get3A_128] : memref<1x8192x256xf32, #tpu.memory_space<vmem>>, vector<1x2048x256xf32>
      %get3A_130 = vector.shape_cast %get3A_129 : vector<1x2048x256xf32> to vector<2048x256xf32>
      %mul3A_131 = arith.mulf %get3A_130, %get3A_130 : vector<2048x256xf32>
      %reduce_sum3A_132 = arith.constant dense<0.000000e+00> : vector<2048xf32>
      %reduce_sum3A_133 = vector.multi_reduction <add>, %mul3A_131, %reduce_sum3A_132 [1] : vector<2048x256xf32> to vector<2048xf32>
      %broadcast_in_dim3A_134 = vector.shape_cast %reduce_sum3A_133 : vector<2048xf32> to vector<2048x1xf32>
      %swap3A_135 = arith.constant 6144 : index
      %swap3A_136 = arith.constant 0 : index
      %swap3A_137 = vector.load %arg5[%swap3A_135, %swap3A_136] : memref<8192x1xf32, #tpu.memory_space<vmem>>, vector<2048x1xf32>
      tpu.vector_store %arg5[%swap3A_135, %swap3A_136], %broadcast_in_dim3A_134 {strides = array<i32>} : memref<8192x1xf32, #tpu.memory_space<vmem>>, vector<2048x1xf32>,
    } else {
    }
    %get3A = arith.constant 0 : index
    %get3A_2 = arith.constant 0 : index
    %get3A_3 = vector.load %arg2[%get3A, %get3A_2] : memref<512x256xf32, #tpu.memory_space<vmem>>, vector<512x256xf32>
    %mul3A = arith.constant -2.000000e+00 : f32
    %mul3A_4 = vector.broadcast %mul3A : f32 to vector<512x256xf32>
    %mul3A_5 = arith.mulf %get3A_3, %mul3A_4 : vector<512x256xf32>
    %get3A_6 = arith.constant 0 : index
    %get3A_7 = arith.constant 0 : index
    %get3A_8 = arith.constant 0 : index
    %get3A_9 = vector.load %arg3[%get3A_6, %get3A_7, %get3A_8] : memref<1x8192x256xf32, #tpu.memory_space<vmem>>, vector<1x2048x256xf32>
    %get3A_10 = vector.shape_cast %get3A_9 : vector<1x2048x256xf32> to vector<2048x256xf32>
    %dot_general3A = arith.constant dense<0.000000e+00> : vector<2048x512xf32>
    %dot_general3A_11 = tpu.matmul %get3A_10, %mul3A_5, %dot_general3A {dimension_numbers = #tpu.dot_dimension_numbers<[1], [1], [0], [0], [0, 0, 1, 0], [], []>, transpose_lhs_hint = false} : vector<2048x256xf32>, vector<512x256xf32>, vector<2048x512xf32> -> vector<2048x512xf32>
    %get3A_12 = arith.constant 0 : index
    %get3A_13 = arith.constant 0 : index
    %get3A_14 = vector.load %arg5[%get3A_12, %get3A_13] : memref<8192x1xf32, #tpu.memory_space<vmem>>, vector<2048x1xf32>
    %add3A = vector.broadcast %get3A_14 : vector<2048x1xf32> to vector<2048x512xf32>
    %add3A_15 = arith.addf %add3A, %dot_general3A_11 : vector<2048x512xf32>
    %reduce_min3A = arith.constant dense<0x7F800000> : vector<512xf32>
    %reduce_min3A_16 = vector.multi_reduction <minimumf>, %add3A_15, %reduce_min3A [0] : vector<2048x512xf32> to vector<512xf32>
    %broadcast_in_dim3A = vector.shape_cast %reduce_min3A_16 : vector<512xf32> to vector<1x512xf32>
    %argmin3A = tpu.reduce_index %add3A_15 {axis = 0 : i32, kind = #tpu.reduction_kind<arg_min>} : vector<2048x512xf32> -> vector<512xi32>
    %add3A_17 = arith.constant 0 : i32
    %add3A_18 = vector.broadcast %add3A_17 : i32 to vector<512xi32>
    %add3A_19 = arith.addi %argmin3A, %add3A_18 : vector<512xi32>
    %reshape3A = vector.shape_cast %add3A_19 : vector<512xi32> to vector<1x512xi32>
    %get3A_20 = arith.constant 0 : index
    %get3A_21 = arith.constant 2048 : index
    %get3A_22 = arith.constant 0 : index
    %get3A_23 = vector.load %arg3[%get3A_20, %get3A_21, %get3A_22] : memref<1x8192x256xf32, #tpu.memory_space<vmem>>, vector<1x2048x256xf32>
    %get3A_24 = vector.shape_cast %get3A_23 : vector<1x2048x256xf32> to vector<2048x256xf32>
    %dot_general3A_25 = arith.constant dense<0.000000e+00> : vector<2048x512xf32>
    %dot_general3A_26 = tpu.matmul %get3A_24, %mul3A_5, %dot_general3A_25 {dimension_numbers = #tpu.dot_dimension_numbers<[1], [1], [0], [0], [0, 0, 1, 0], [], []>, transpose_lhs_hint = false} : vector<2048x256xf32>, vector<512x256xf32>, vector<2048x512xf32> -> vector<2048x512xf32>
    %get3A_27 = arith.constant 2048 : index
    %get3A_28 = arith.constant 0 : index
    %get3A_29 = vector.load %arg5[%get3A_27, %get3A_28] : memref<8192x1xf32, #tpu.memory_space<vmem>>, vector<2048x1xf32>
    %add3A_30 = vector.broadcast %get3A_29 : vector<2048x1xf32> to vector<2048x512xf32>
    %add3A_31 = arith.addf %add3A_30, %dot_general3A_26 : vector<2048x512xf32>
    %reduce_min3A_32 = arith.constant dense<0x7F800000> : vector<512xf32>
    %reduce_min3A_33 = vector.multi_reduction <minimumf>, %add3A_31, %reduce_min3A_32 [0] : vector<2048x512xf32> to vector<512xf32>
    %broadcast_in_dim3A_34 = vector.shape_cast %reduce_min3A_33 : vector<512xf32> to vector<1x512xf32>
    %argmin3A_35 = tpu.reduce_index %add3A_31 {axis = 0 : i32, kind = #tpu.reduction_kind<arg_min>} : vector<2048x512xf32> -> vector<512xi32>
    %add3A_36 = arith.constant 2048 : i32
    %add3A_37 = vector.broadcast %add3A_36 : i32 to vector<512xi32>
    %add3A_38 = arith.addi %argmin3A_35, %add3A_37 : vector<512xi32>
    %reshape3A_39 = vector.shape_cast %add3A_38 : vector<512xi32> to vector<1x512xi32>
    %lt3A = arith.cmpf olt, %broadcast_in_dim3A_34, %broadcast_in_dim3A : vector<1x512xf32>
    %select_n3A = arith.select %lt3A, %reshape3A_39, %reshape3A : vector<1x512xi1>, vector<1x512xi32>
    %select_n3A_40 = arith.select %lt3A, %broadcast_in_dim3A_34, %broadcast_in_dim3A : vector<1x512xi1>, vector<1x512xf32>
    %get3A_41 = arith.constant 0 : index
    %get3A_42 = arith.constant 4096 : index
    %get3A_43 = arith.constant 0 : index
    %get3A_44 = vector.load %arg3[%get3A_41, %get3A_42, %get3A_43] : memref<1x8192x256xf32, #tpu.memory_space<vmem>>, vector<1x2048x256xf32>
    %get3A_45 = vector.shape_cast %get3A_44 : vector<1x2048x256xf32> to vector<2048x256xf32>
    %dot_general3A_46 = arith.constant dense<0.000000e+00> : vector<2048x512xf32>
    %dot_general3A_47 = tpu.matmul %get3A_45, %mul3A_5, %dot_general3A_46 {dimension_numbers = #tpu.dot_dimension_numbers<[1], [1], [0], [0], [0, 0, 1, 0], [], []>, transpose_lhs_hint = false} : vector<2048x256xf32>, vector<512x256xf32>, vector<2048x512xf32> -> vector<2048x512xf32>
    %get3A_48 = arith.constant 4096 : index
    %get3A_49 = arith.constant 0 : index
    %get3A_50 = vector.load %arg5[%get3A_48, %get3A_49] : memref<8192x1xf32, #tpu.memory_space<vmem>>, vector<2048x1xf32>
    %add3A_51 = vector.broadcast %get3A_50 : vector<2048x1xf32> to vector<2048x512xf32>
    %add3A_52 = arith.addf %add3A_51, %dot_general3A_47 : vector<2048x512xf32>
    %reduce_min3A_53 = arith.constant dense<0x7F800000> : vector<512xf32>
    %reduce_min3A_54 = vector.multi_reduction <minimumf>, %add3A_52, %reduce_min3A_53 [0] : vector<2048x512xf32> to vector<512xf32>
    %broadcast_in_dim3A_55 = vector.shape_cast %reduce_min3A_54 : vector<512xf32> to vector<1x512xf32>
    %argmin3A_56 = tpu.reduce_index %add3A_52 {axis = 0 : i32, kind = #tpu.reduction_kind<arg_min>} : vector<2048x512xf32> -> vector<512xi32>
    %add3A_57 = arith.constant 4096 : i32
    %add3A_58 = vector.broadcast %add3A_57 : i32 to vector<512xi32>
    %add3A_59 = arith.addi %argmin3A_56, %add3A_58 : vector<512xi32>
    %reshape3A_60 = vector.shape_cast %add3A_59 : vector<512xi32> to vector<1x512xi32>
    %lt3A_61 = arith.cmpf olt, %broadcast_in_dim3A_55, %select_n3A_40 : vector<1x512xf32>
    %select_n3A_62 = arith.select %lt3A_61, %reshape3A_60, %select_n3A : vector<1x512xi1>, vector<1x512xi32>
    %select_n3A_63 = arith.select %lt3A_61, %broadcast_in_dim3A_55, %select_n3A_40 : vector<1x512xi1>, vector<1x512xf32>
    %get3A_64 = arith.constant 0 : index
    %get3A_65 = arith.constant 6144 : index
    %get3A_66 = arith.constant 0 : index
    %get3A_67 = vector.load %arg3[%get3A_64, %get3A_65, %get3A_66] : memref<1x8192x256xf32, #tpu.memory_space<vmem>>, vector<1x2048x256xf32>
    %get3A_68 = vector.shape_cast %get3A_67 : vector<1x2048x256xf32> to vector<2048x256xf32>
    %dot_general3A_69 = arith.constant dense<0.000000e+00> : vector<2048x512xf32>
    %dot_general3A_70 = tpu.matmul %get3A_68, %mul3A_5, %dot_general3A_69 {dimension_numbers = #tpu.dot_dimension_numbers<[1], [1], [0], [0], [0, 0, 1, 0], [], []>, transpose_lhs_hint = false} : vector<2048x256xf32>, vector<512x256xf32>, vector<2048x512xf32> -> vector<2048x512xf32>
    %get3A_71 = arith.constant 6144 : index
    %get3A_72 = arith.constant 0 : index
    %get3A_73 = vector.load %arg5[%get3A_71, %get3A_72] : memref<8192x1xf32, #tpu.memory_space<vmem>>, vector<2048x1xf32>
    %add3A_74 = vector.broadcast %get3A_73 : vector<2048x1xf32> to vector<2048x512xf32>
    %add3A_75 = arith.addf %add3A_74, %dot_general3A_70 : vector<2048x512xf32>
    %reduce_min3A_76 = arith.constant dense<0x7F800000> : vector<512xf32>
    %reduce_min3A_77 = vector.multi_reduction <minimumf>, %add3A_75, %reduce_min3A_76 [0] : vector<2048x512xf32> to vector<512xf32>
    %broadcast_in_dim3A_78 = vector.shape_cast %reduce_min3A_77 : vector<512xf32> to vector<1x512xf32>
    %argmin3A_79 = tpu.reduce_index %add3A_75 {axis = 0 : i32, kind = #tpu.reduction_kind<arg_min>} : vector<2048x512xf32> -> vector<512xi32>
    %add3A_80 = arith.constant 6144 : i32
    %add3A_81 = vector.broadcast %add3A_80 : i32 to vector<512xi32>
    %add3A_82 = arith.addi %argmin3A_79, %add3A_81 : vector<512xi32>
    %reshape3A_83 = vector.shape_cast %add3A_82 : vector<512xi32> to vector<1x512xi32>
    %lt3A_84 = arith.cmpf olt, %broadcast_in_dim3A_78, %select_n3A_63 : vector<1x512xf32>
    %select_n3A_85 = arith.select %lt3A_84, %reshape3A_83, %select_n3A_62 : vector<1x512xi1>, vector<1x512xi32>
    %squeeze3A = vector.shape_cast %select_n3A_85 : vector<1x512xi32> to vector<512xi32>
    %swap3A = arith.constant 0 : index
    %swap3A_86 = arith.constant 0 : index
    %swap3A_87 = arith.constant 0 : index
    %swap3A_88 = vector.load %arg4[%swap3A, %swap3A_86, %swap3A_87] : memref<1x1x512xi32, #tpu.memory_space<vmem>>, vector<1x1x512xi32>
    %swap3A_89 = vector.shape_cast %swap3A_88 : vector<1x1x512xi32> to vector<512xi32>
    %swap3A_90 = vector.shape_cast %squeeze3A : vector<512xi32> to vector<1x1x512xi32>
    tpu.vector_store %arg4[%swap3A, %swap3A_86, %swap3A_87], %swap3A_90 {strides = array<i32>} : memref<1x1x512xi32, #tpu.memory_space<vmem>>, vector<1x1x512xi32>,
    return
  }
  func.func @transform_0(%arg0: i32, %arg1: i32) -> (i32, i32) {
    %c0_i32 = arith.constant 0 : i32
    return %arg1, %arg0 : i32, i32
  }
  func.func @transform_1(%arg0: i32, %arg1: i32) -> (i32, i32, i32) {
    %c0_i32 = arith.constant 0 : i32
    %c0_i32_0 = arith.constant 0 : i32
    %c0_i32_1 = arith.constant 0 : i32
    return %arg0, %c0_i32, %c0_i32_0 : i32, i32, i32
  }
  func.func @transform_2(%arg0: i32, %arg1: i32) -> (i32, i32, i32) {
    %c0_i32 = arith.constant 0 : i32
    %c0_i32_0 = arith.constant 0 : i32
    return %arg0, %c0_i32, %arg1 : i32, i32, i32
  }
}

module attributes {stable_mosaic.version = 14 : i64} {
  func.func @_rms_body(%arg0: i32, %arg1: memref<512x1024xf32, #tpu.memory_space<vmem>>, %arg2: memref<1x1024xf32, #tpu.memory_space<vmem>>, %arg3: memref<512x1024xf32, #tpu.memory_space<vmem>>) attributes {dimension_semantics = [#tpu.dimension_semantics<arbitrary>], iteration_bounds = array<i64: 16>, scalar_prefetch = 0 : i64, scratch_operands = 0 : i64, tpu.core_type = #tpu.core_type<tc>, window_params = [{transform_indices = @transform_0, window_bounds = array<i64: 512, 1024>}, {pipeline_mode = #tpu.pipeline_mode<synchronous>, transform_indices = @transform_1, window_bounds = array<i64: 1, 1024>}, {transform_indices = @transform_2, window_bounds = array<i64: 512, 1024>}]} {
    %get3A = arith.constant 0 : index
    %get3A_0 = arith.constant 0 : index
    %get3A_1 = vector.load %arg1[%get3A, %get3A_0] : memref<512x1024xf32, #tpu.memory_space<vmem>>, vector<512x1024xf32>
    %mul3A = arith.mulf %get3A_1, %get3A_1 : vector<512x1024xf32>
    %reduce_sum3A = arith.constant dense<0.000000e+00> : vector<512xf32>
    %reduce_sum3A_2 = vector.multi_reduction <add>, %mul3A, %reduce_sum3A [1] : vector<512x1024xf32> to vector<512xf32>
    %broadcast_in_dim3A = vector.shape_cast %reduce_sum3A_2 : vector<512xf32> to vector<512x1xf32>
    %div3A = arith.constant 1.024000e+03 : f32
    %div3A_3 = vector.broadcast %div3A : f32 to vector<512x1xf32>
    %div3A_4 = arith.divf %broadcast_in_dim3A, %div3A_3 : vector<512x1xf32>
    %add3A = arith.constant 9.99999974E-6 : f32
    %add3A_5 = vector.broadcast %add3A : f32 to vector<512x1xf32>
    %add3A_6 = arith.addf %div3A_4, %add3A_5 : vector<512x1xf32>
    %rsqrt3A = math.rsqrt %add3A_6 : vector<512x1xf32>
    %mul3A_7 = vector.broadcast %rsqrt3A : vector<512x1xf32> to vector<512x1024xf32>
    %mul3A_8 = arith.mulf %get3A_1, %mul3A_7 : vector<512x1024xf32>
    %get3A_9 = arith.constant 0 : index
    %get3A_10 = arith.constant 0 : index
    %get3A_11 = vector.load %arg2[%get3A_9, %get3A_10] : memref<1x1024xf32, #tpu.memory_space<vmem>>, vector<1x1024xf32>
    %mul3A_12 = vector.broadcast %get3A_11 : vector<1x1024xf32> to vector<512x1024xf32>
    %mul3A_13 = arith.mulf %mul3A_8, %mul3A_12 : vector<512x1024xf32>
    %swap3A = arith.constant 0 : index
    %swap3A_14 = arith.constant 0 : index
    %swap3A_15 = vector.load %arg3[%swap3A, %swap3A_14] : memref<512x1024xf32, #tpu.memory_space<vmem>>, vector<512x1024xf32>
    tpu.vector_store %arg3[%swap3A, %swap3A_14], %mul3A_13 {strides = array<i32>} : memref<512x1024xf32, #tpu.memory_space<vmem>>, vector<512x1024xf32>,
    return
  }
  func.func @transform_0(%arg0: i32) -> (i32, i32) {
    %c0_i32 = arith.constant 0 : i32
    %c0_i32_0 = arith.constant 0 : i32
    return %arg0, %c0_i32 : i32, i32
  }
  func.func @transform_1(%arg0: i32) -> (i32, i32) {
    %c0_i32 = arith.constant 0 : i32
    %c0_i32_0 = arith.constant 0 : i32
    %c0_i32_1 = arith.constant 0 : i32
    return %c0_i32, %c0_i32_0 : i32, i32
  }
  func.func @transform_2(%arg0: i32) -> (i32, i32) {
    %c0_i32 = arith.constant 0 : i32
    %c0_i32_0 = arith.constant 0 : i32
    return %arg0, %c0_i32 : i32, i32
  }
}

</mosaic_0001>

<sc_bundles>
// kernel: kernel.6.cloned.1.call-start
scs
__scs_entry_jumppad:
0x0: {  	(pc) =	sbr.rel $0x88, $3  }
0x1: {  	(tag) =	ssettag $0x0;
	lr =	simm.s32 $0x1  }
0x2: {  	[smem:$0x3F9D] =	sst lr;
	_ =	strace $0xD0000000  }
0x3: {  	_ = 	snop  }
0x4: {  	_ = 	snop  }
0x5: {  	_ = 	snop  }
0x6: {  	_ = 	snop  }
0x7: {  	_ = 	snop  }
__scs_overlays_trampoline_lowered:
0x8: {  	[smem:$0x3FAC] =	sst s0  }
0x9: {  	[smem:$0x3FAD] =	sst s1  }
0xa: {  	[smem:$0x3FAE] =	sst s2  }
0xb: {  	[smem:$0x3FAF] =	sst s3  }
0xc: {  	[smem:$0x3FB0] =	sst s4  }
0xd: {  	[smem:$0x3FB1] =	sst s5  }
0xe: {  	[smem:$0x3FB2] =	sst s6  }
0xf: {  	[smem:$0x3FB3] =	sst s7  }
0x10: {  	[smem:$0x3FB4] =	sst s8  }
0x11: {  	[smem:$0x3FB5] =	sst s9;
	s0 =	simm.s32 @!p0 $0x0  }
0x12: {  	s1 =	sld [smem:$0x3F9B];
	s0 =	simm.s32 @p0 $0x1  }
0x13: {  	[smem:$0x3FB6] =	sst s0;
	s0 =	simm.s32 @!p1 $0x0  }
0x14: {  	s2 =	sld [smem:$0x3F9A];
	s0 =	simm.s32 @p1 $0x1  }
0x15: {  	[smem:$0x3FB7] =	sst s0;
	s0 =	simm.s32 @!p2 $0x0  }
0x16: {  	s3 =	sld [smem:$0x3FDB];
	s0 =	simm.s32 @p2 $0x1  }
0x17: {  	s4 =	simm.s32 $0x1BF5;
	[smem:$0x3FB9] =	sst s0  }
0x18: {  	s0 =	sld [smem:$0x3F9C];
	_ =	swait.ge [sflag:s4], $0x0  }
0x19: {  	s7 =	sld [smem:$0x3F9D]  }
0x1a: {  	s8 =	sadd.s32 $0xFFFFE003, lr  }
0x1b: {  	s9 =	sadd.s32 $0xFFFFFEF7, lr;
	s5 =	simm.s32 $0xFFFFFFFF;
	p2 =	slt.u32 s8, $0xFFFFF086  }
0x1c: {  	p1 =	slt.u32 s9, $0xF7A;
	s5 =	simm.s32 @!p2 $0x0  }
0x1d: {  	s5 =	simm.s32 @p1 $0x1;
	p0 =	seq.s32 s7, s2  }
0x1e: {  	s7 =	smul.u32 @!p0 $0xF7A, s2;
	p2 =	seq.s32 @!p0 s5, $0x0  }
0x1f: {  	s9 =	smul.u32 $0xF7A, s1;
	s8 =	simm.s32 @!p0 $0x1BF5;
	p2 =	por !p2, p0  }
0x20: {  	[sflag:s8] =	ssyncset.s32 @!p0 $0xFFFFF086;
	s6 =	sadd.s32 @!p0 s3, s7;
	s7 =	simm.s32 @!p0 $0x108  }
0x21: {  	s3 =	sadd.s32 s3, s9;
	s6 =	sadd.s32 @!p0 $0x88, s6;
	s7 =	simm.s32 @p2 $0x1082  }
0x22: {  	[simem:s7], [sflag:s8] =	dma.local @!p0 [hbm:s6], $0xF7A  }
0x23: {  	s9 =	sor.u32 $0xD0000000, s2;
	s6 =	simm.s32 $0x108;
	_ =	swait.ge @!p0 [sflag:s8], $0x0  }
0x24: {  	s3 =	sadd.s32 $0x88, s3;
	s6 =	simm.s32 @!p1 $0x1082;
	[sflag:s4] =	ssyncset.s32 $0xFFFFF086  }
0x25: {  	[simem:s6], [sflag:s4] =	dma.local [hbm:s3], $0xF7A  }
0x26: {  	[smem:$0x3F9D] =	sst s1;
	(tag) =	ssettag s2;
	_ =	strace s9  }
0x27: {  	s1 =	sld [smem:$0x3FAD]  }
0x28: {  	s2 =	sld [smem:$0x3FAE]  }
0x29: {  	s4 =	sld [smem:$0x3FB0]  }
0x2a: {  	p0 =	seq.s32 s5, $0x0;
	s5 =	sld [smem:$0x3FB1]  }
0x2b: {  	s6 =	sld [smem:$0x3FB2]  }
0x2c: {  	s7 =	sld [smem:$0x3FB3]  }
0x2d: {  	s3 =	simm.s32 $0x108;
	s8 =	sld [smem:$0x3FB4]  }
0x2e: {  	s3 =	simm.s32 @!p0 $0x1082;
	s9 =	sld [smem:$0x3FB5]  }
0x2f: {  	lr =	sadd.s32 s0, s3;
	s0 =	sld [smem:$0x3FAC]  }
0x30: {  	s3 =	sld [smem:$0x3FAF]  }
0x31: {  	[smem:$0x3FB8] =	sst s10  }
0x32: {  	s10 =	sld [smem:$0x3FB6];
	_ =	sdelay $0x3  }
0x33: {  	p0 =	seq.s32 s10, $0x1;
	s10 =	sld [smem:$0x3FB8];
	_ =	sdelay $0x3  }
0x34: {  	[smem:$0x3FB8] =	sst s10  }
0x35: {  	s10 =	sld [smem:$0x3FB7];
	_ =	sdelay $0x3  }
0x36: {  	p1 =	seq.s32 s10, $0x1;
	s10 =	sld [smem:$0x3FB8];
	_ =	sdelay $0x3  }
0x37: {  	[smem:$0x3FB8] =	sst s10  }
0x38: {  	s10 =	sld [smem:$0x3FB9]  }
0x39: {  	_ = 	snop;
	(pc) =	sbr.ind lr, $3  }
0x3a: {  	_ = 	snop  }
0x3b: {  	_ = 	snop  }
0x3c: {  	p2 =	seq.s32 s10, $0x1;
	s10 =	sld [smem:$0x3FB8]  }
0x3d: {  	_ =	shalt  }
0x3e: {  	_ =	shalt  }
0x3f: {  	_ =	shalt  }
0x40: {  	_ =	shalt  }
0x41: {  	_ =	shalt  }
0x42: {  	_ =	shalt  }
0x43: {  	_ =	shalt  }
0x44: {  	_ =	shalt  }
0x45: {  	_ =	shalt  }
0x46: {  	_ =	shalt  }
0x47: {  	_ =	shalt  }
0x48: {  	_ =	shalt  }
0x49: {  	_ =	shalt  }
0x4a: {  	_ =	shalt  }
0x4b: {  	_ =	shalt  }
0x4c: {  	_ =	shalt  }
0x4d: {  	_ =	shalt  }
0x4e: {  	_ =	shalt  }
0x4f: {  	_ =	shalt  }
0x50: {  	_ =	shalt  }
0x51: {  	_ =	shalt  }
0x52: {  	_ =	shalt  }
0x53: {  	_ =	shalt  }
0x54: {  	_ =	shalt  }
0x55: {  	_ =	shalt  }
0x56: {  	_ =	shalt  }
0x57: {  	_ =	shalt  }
0x58: {  	_ =	shalt  }
0x59: {  	_ =	shalt  }
0x5a: {  	_ =	shalt  }
0x5b: {  	_ =	shalt  }
0x5c: {  	_ =	shalt  }
0x5d: {  	_ =	shalt  }
0x5e: {  	_ =	shalt  }
0x5f: {  	_ =	shalt  }
0x60: {  	_ =	shalt  }
0x61: {  	_ =	shalt  }
0x62: {  	_ =	shalt  }
0x63: {  	_ =	shalt  }
0x64: {  	_ =	shalt  }
0x65: {  	_ =	shalt  }
0x66: {  	_ =	shalt  }
0x67: {  	_ =	shalt  }
0x68: {  	_ =	shalt  }
0x69: {  	_ =	shalt  }
0x6a: {  	_ =	shalt  }
0x6b: {  	_ =	shalt  }
0x6c: {  	_ =	shalt  }
0x6d: {  	_ =	shalt  }
0x6e: {  	_ =	shalt  }
0x6f: {  	_ =	shalt  }
0x70: {  	_ =	shalt  }
0x71: {  	_ =	shalt  }
0x72: {  	_ =	shalt  }
0x73: {  	_ =	shalt  }
0x74: {  	_ =	shalt  }
0x75: {  	_ =	shalt  }
0x76: {  	_ =	shalt  }
0x77: {  	_ =	shalt  }
0x78: {  	_ =	shalt  }
0x79: {  	_ =	shalt  }
0x7a: {  	_ =	shalt  }
0x7b: {  	_ =	shalt  }
0x7c: {  	_ =	shalt  }
0x7d: {  	_ =	shalt  }
0x7e: {  	_ =	shalt  }
0x7f: {  	_ =	shalt  }
0x80: {  	_ =	shalt  }
0x81: {  	_ =	shalt  }
0x82: {  	_ =	shalt  }
0x83: {  	_ =	shalt  }
0x84: {  	_ =	shalt  }
0x85: {  	_ =	shalt  }
0x86: {  	_ =	shalt  }
0x87: {  	_ =	shalt  }
.Lfunc_end0:
.L_simem_size_0:
called_computation_lowered:
.L_overlay_start_0:
0x88: {  	s2 =	sld [smem:$0x3FD9]  }
0x89: {  	s3 =	sld [smem:$0x3FFE];
	_ =	sdelay $0x1  }
0x8a: {  	s1 =	srdreg.scid  }
0x8b: {  	s0 =	sand.u32 $0x1, s1  }
0x8c: {  	s14 =	sshll.u32 s0, $0xA;
	s2 =	sadd.s32 s3, s2  }
0x8d: {  	s2 =	sadd.s32 s2, s14  }
0x8e: {  	[smem:$0x3FC4] =	sst s2  }
0x8f: {  	_ = 	snop  }
0x90: {  	s2 =	sld [smem:$0x3FD0];
	_ =	sdelay $0x2  }
0x91: {  	s4 =	simm.s32 $0xA;
	s5 =	simm.s32 $0x10;
	s15 =	sld [smem:$0x3FC7]  }
0x92: {  	[smem:s5], [sflag:s4] =	dma.local [hbm:s2], $0x1  }
0x93: {  	_ =	swait.eq [sflag:s4], $0x1  }
0x94: {  	[sflag:s4] =	ssyncset.done $0x0  }
0x95: {  	[sflag:s4] =	ssyncadd.s32 $0xFFFFFFFF  }
0x96: {  	s16 =	sld [smem:$0x10];
	(tm) =	ssettm $0x1  }
0x97: {  	s17 =	sld [smem:$0x3FFB];
	_ =	sdelay $0x3  }
0x98: {  	_ =	strace s17  }
0x99: {  	s4 =	sld [smem:$0x3FFC];
	_ =	sdelay $0x3  }
0x9a: {  	_ =	strace s4  }
0x9b: {  	s4 =	sld [smem:$0x3FFD];
	_ =	sdelay $0x3  }
0x9c: {  	_ =	strace s4  }
0x9d: {  	_ =	strace $0x8FFFFFFF  }
0x9e: {  	s18 =	sld [smem:$0x3FDB];
	_ =	sdelay $0x1  }
0x9f: {  	s19 =	simm.s32 $_scs_section_size  }
0xa0: {  	s6 =	simm.s32 $_size__tile_overlayer_lowered;
	s7 =	simm.s32 $_tile_overlayer_lowered  }
0xa1: {  	s22 =	simm.s32 $0x1BFF;
	s21 =	sshll.u32 s7, $0x1;
	s4 =	sadd.s32 s19, s18  }
0xa2: {  	s8 =	simm.s32 $0x0;
	s20 =	sshll.u32 s6, $0x1;
	s6 =	sadd.s32 s21, s4  }
0xa3: {  	[timem:s8], [sflag:s22] =	dma.local [hbm:s6], s20  }
0xa4: {  	_ =	swait.ge [sflag:s22], s20  }
0xa5: {  	s5 =	ssub.s32 $0x0, s20;
	[sflag:s22] =	ssyncset.done $0x0  }
0xa6: {  	[sflag:s22] =	ssyncadd.s32 s5;
	_ =	sdelay $0x1  }
0xa7: {  	s23 =	simm.s32 $0x1B8B  }
0xa8: {  	_ =	swait.ge [sflag:s23], $0x1  }
0xa9: {  	[sflag:s23] =	ssyncset.done $0x0  }
0xaa: {  	s25 =	simm.s32 $0x1B8E;
	s24 =	sld [smem:$0x3FFE];
	[sflag:s23] =	ssyncadd.s32 $0xFFFFFFFF  }
0xab: {  	s26 =	simm.s32 $execute0_lowered;
	[smem:$0x3FD2] =	sst s25  }
0xac: {  	s6 =	sshll.u32 s26, $0x1;
	_ =	strace $0x80000046;
	[dreg:$0x1] =	wrdreg $0xFFFFFFFF  }
0xad: {  	s28 =	simm.s32 $_size_execute0_lowered;
	s4 =	sadd.s32 s4, s6;
	[dreg:$0x0] =	wrdreg $0x0  }
0xae: {  	s6 =	sshll.u32 s28, $0x1;
	[dreg:$0x2] =	wrdreg s4  }
0xaf: {  	[dreg:$0x3] =	wrdreg s6  }
0xb0: {  	[dreg:$0x4] =	wrdreg $0xC0  }
0xb1: {  	_ =	task [dreg:s8], $0x5FFFF  }
0xb2: {  	[dreg:$0x1] =	wrdreg $0xFFFFFFFF  }
0xb3: {  	[dreg:$0x0] =	wrdreg $0x60  }
0xb4: {  	[dreg:$0x2] =	wrdreg s15  }
0xb5: {  	[dreg:$0x3] =	wrdreg s24  }
0xb6: {  	[dreg:$0x4] =	wrdreg s16  }
0xb7: {  	[dreg:$0x5] =	wrdreg $0x9  }
0xb8: {  	_ =	task.clear_ibuf [dreg:s8], $0x6FFFF;
	_ =	strace $0x90000046  }
0xb9: {  	s29 =	simm.s32 $0x9;
	_ =	strace $0x80000048  }
0xba: {  	_ =	swait.ge [sflag:s29], $0x1  }
0xbb: {  	[sflag:s29] =	ssyncadd.s32 $0xFFFFFFFF  }
0xbc: {  	_ =	strace $0x90000048  }
0xbd: {  	_ =	sfence  }
0xbe: {  	s30 =	sld [smem:$0x0];
	_ =	sdelay $0x2  }
0xbf: {  	s31 =	sshll.u32 s1, $0xD;
	s1 =	sshrl.u32 s1, $0x2  }
0xc0: {  	s3 =	sand.u32 $0x4000, s31;
	s1 =	sadd.s32 s1, s30  }
0xc1: {  	s0 =	sor.u32 s3, s0;
	s1 =	sshll.u32 s1, $0x11  }
0xc2: {  	s0 =	sor.u32 s1, s0  }
0xc3: {  	s0 =	sadd.s32 $0x8F2B, s0  }
0xc4: {  	[sflag:s0] =	ssyncadd.remote.s32 $0x1  }
0xc5: {  	_ =	sfence.sel $0xFFFF  }
0xc6: {  	[dreg:$0x0] =	wrdreg $0xFFFFFFFF;
	(pc) =	sbr.abs _section_cstart, $3  }
0xc7: {  	[dreg:$0x1] =	wrdreg $0xFFFFFFFF  }
0xc8: {  	_ =	task.clear_ibuf [dreg:s8], $0x2FFFF;
	_ =	strace $0x9FFFFFFF  }
0xc9: {  	(tm) =	ssettm $0x7FFFFFFF  }
tec
execute0_lowered:
.L_overlay_start_1:
0x0: {  	(tag) =	ssettag $0x1  }
0x1: {  	s1 =	rddreg [dreg:$0x0]  }
0x2: {  	s0 =	rddreg [dreg:$0x1]  }
0x3: {  	s12 =	rddreg [dreg:$0x2]  }
0x4: {  	s4 =	srdreg.scid;
	s3 =	simm.s32 $0x0;
	s2 =	stileid.u32  }
0x5: {  	s28 =	simm.s32 $0x6080;
	s29 =	simm.s32 $0x6880;
	s30 =	simm.s32 $0x7080  }
0x6: {  	s31 =	simm.s32 $0x7880;
	s4 =	sand.u32 $0x1, s4;
	[smem:$0x7FF] =	sst s3  }
0x7: {  	s5 =	sshll.u32 s2, $0xB;
	s0 =	sadd.s32 $0xA00, s0;
	s6 =	sshll.u32 s4, $0xA  }
0x8: {  	_ =	strace $0x80000047;
	s4 =	ssub.s32 $0x2, s4;
	s10 =	sor.u32 s6, s5  }
0x9: {  	s14 =	sshrl.u32 s4, $0x1;
	s5 =	sshrl.u32 s10, $0x3;
	s6 =	sshll.u32 s10, $0x5  }
0xa: {  	s7 =	sor.u32 $0x80, s10;
	s13 =	sor.u32 $0x100, s10;
	s20 =	sor.u32 $0x200, s10  }
0xb: {  	s23 =	sor.u32 $0x280, s10;
	s5 =	sadd.s32 s0, s5;
	s26 =	sadd.s32 s12, s6  }
0xc: {  	s2 =	sshrl.u32 s7, $0x3;
	s9 =	sshll.u32 s7, $0x5;
	s15 =	sshrl.u32 s13, $0x3  }
0xd: {  	s6 =	sshll.u32 s13, $0x5;
	s13 =	ssub.s32 s4, s14;
	s21 =	sshrl.u32 s20, $0x3  }
0xe: {  	s22 =	sshll.u32 s20, $0x5;
	s24 =	sshrl.u32 s23, $0x3;
	[dreg:$0x4] =	wrdreg s5  }
0xf: {  	s14 =	sor.u32 $0x380, s10;
	s20 =	simm.s32 $0x2880;
	[dreg:$0x5] =	wrdreg s26  }
0x10: {  	s8 =	sadd.s32 s0, s2;
	s11 =	sadd.s32 s12, s9;
	s5 =	sadd.s32 s0, s15  }
0x11: {  	s16 =	sadd.s32 s12, s6;
	s6 =	sadd.s32 s12, s22;
	s9 =	sshll.u32 s23, $0x5  }
0x12: {  	s7 =	sadd.s32 s0, s24;
	s26 =	sshrl.u32 s14, $0x3;
	s14 =	sshll.u32 s14, $0x5  }
0x13: {  	s13 =	smax.u32 s13, $0x1;
	s15 =	simm.s32 $0x80;
	[dreg:$0x6] =	wrdreg s8  }
0x14: {  	s22 =	simm.s32 $0x3880;
	s23 =	simm.s32 $0x4080;
	[dreg:$0x7] =	wrdreg s11  }
0x15: {  	s24 =	simm.s32 $0x4880;
	s8 =	sor.u32 $0x180, s10;
	[dreg:$0x8] =	wrdreg s5  }
0x16: {  	[dreg:$0x9] =	wrdreg s16;
	s5 =	sadd.s32 s0, s21;
	s11 =	sor.u32 $0x300, s10  }
0x17: {  	s16 =	simm.s32 $0x880;
	s21 =	simm.s32 $0x3080;
	s17 =	sshrl.u32 s8, $0x3  }
0x18: {  	s19 =	sshll.u32 s8, $0x5;
	s8 =	sadd.s32 s12, s9;
	s25 =	sshrl.u32 s11, $0x3  }
0x19: {  	s11 =	sshll.u32 s11, $0x5;
	s18 =	sadd.s32 s0, s17;
	s4 =	sadd.s32 s12, s19  }
0x1a: {  	s9 =	sadd.s32 s0, s25;
	s10 =	sadd.s32 s12, s11;
	s11 =	sadd.s32 s0, s26  }
0x1b: {  	v3 =	vlaneseq.u32;
	vm0 =	vmmov $0xffff;
	s12 =	sadd.s32 s12, s14;
	s14 =	simm.s32 $0x2;
	s17 =	simm.s32 $0x1080  }
0x1c: {  	v0 =	vand.u32 $0x3, v3;
	v1 =	vand.u32 $0x7, v3;
	v2 =	vshrl.u32 v3, $0x3;
	s19 =	simm.s32 $0x2080;
	s25 =	simm.s32 $0x5080;
	s26 =	simm.s32 $0x5880  }
0x1d: {  	v3 =	vor.u32 $0x8, v3;
	v0 =	vmul.u32 $0x2000, v0;
	v2 =	vmul.u32 $0x8, v2;
	s0 =	simm.s32 $0x1;
	[dreg:$0xa] =	wrdreg s18;
	s18 =	simm.s32 $0x1880  }
.LBB2_1:
0x1e: {  	s2 =	rddreg [dreg:$0x4]  }
0x1f: {  	[tilespmem:s3], [sflag:$0x2] =	stream.linear.gather [hbm4b:s2+s3], $0x80, $0x38;
	[tilespmem:$0x8080] =	vst v63  }
0x20: {  	_ =	swait.ge [sflag:s14], $0x80  }
0x21: {  	[sflag:s14] =	ssyncset.done $0x0  }
0x22: {  	[sflag:s14] =	ssyncadd.s32 $0xFFFFFF80  }
0x23: {  	v4 =	vld [tilespmem:$0x0];
	_ =	sdelay $0x2  }
0x24: {  	v5 =	vld [tilespmem:$0x10]  }
0x25: {  	v6 =	vld [tilespmem:$0x20]  }
0x26: {  	v8 =	vld [tilespmem:$0x30];
	v7 =	vadd.s32 v0, v4  }
0x27: {  	v9 =	vld [tilespmem:$0x40];
	v10 =	vshll.u32 v7, $0x1  }
0x28: {  	v11 =	vld [tilespmem:$0x50];
	v4 =	vand.u32 $0x7, v4;
	v10 =	vand.u32 $0xFFFFFFF0, v10  }
0x29: {  	v50 =	vld [tilespmem:$0x60];
	v5 =	vadd.s32 v0, v5;
	[tilespmem:$0x0] =	vst v7;
	v4 =	vor.u32 v4, v10  }
0x2a: {  	v51 =	vld [tilespmem:$0x70];
	[tilespmem:$0x10] =	vst v5;
	v5 =	vadd.s32 v0, v6;
	v10 =	vperm.xlane v4, v1  }
0x2b: {  	[tilespmem:$0x20] =	vst v5;
	v5 =	vadd.s32 v0, v8  }
0x2c: {  	[tilespmem:$0x30] =	vst v5;
	v5 =	vadd.s32 v0, v9;
	v4 =	vperm.xlane v4, v3;
	v52 =	vadd.s32 v2, v10  }
0x2d: {  	[tilespmem:$0x40] =	vst v5;
	v5 =	vadd.s32 v0, v11  }
0x2e: {  	[tilespmem:$0x50] =	vst v5;
	v5 =	vadd.s32 v0, v50;
	v4 =	vadd.s32 v2, v4  }
0x2f: {  	[tilespmem:$0x60] =	vst v5;
	v5 =	vadd.s32 v0, v51  }
0x30: {  	[tilespmem:$0x70] =	vst v5  }
0x31: {  	[tilespmem:s15], [sflag:$0x1] =	stream.indirect_vreg.gather [hbm4b:s1+s3], $0x80, v52, vm0, $0xb8;
	[tilespmem:$0x8080] =	vst v63  }
0x32: {  	_ = 	snop  }
0x33: {  	[tilespmem:s16], [sflag:$0x1] =	stream.indirect_vreg.gather [hbm4b:s1+s3], $0x80, v4, vm0, $0xb8;
	[tilespmem:$0x8080] =	vst v63  }
0x34: {  	v4 =	vld [tilespmem:$0x10];
	_ =	sdelay $0x4  }
0x35: {  	v5 =	vshll.u32 v4, $0x1  }
0x36: {  	v4 =	vand.u32 $0x7, v4;
	v5 =	vand.u32 $0xFFFFFFF0, v5  }
0x37: {  	v4 =	vor.u32 v4, v5  }
0x38: {  	v5 =	vperm.xlane v4, v1;
	_ =	sdelay $0x1  }
0x39: {  	v4 =	vperm.xlane v4, v3;
	v5 =	vadd.s32 v2, v5;
	_ =	sdelay $0x1  }
0x3a: {  	v4 =	vadd.s32 v2, v4;
	_ =	sdelay $0x2  }
0x3b: {  	[tilespmem:s17], [sflag:$0x1] =	stream.indirect_vreg.gather [hbm4b:s1+s3], $0x80, v5, vm0, $0xb8;
	[tilespmem:$0x8080] =	vst v63  }
0x3c: {  	_ = 	snop  }
0x3d: {  	[tilespmem:s18], [sflag:$0x1] =	stream.indirect_vreg.gather [hbm4b:s1+s3], $0x80, v4, vm0, $0xb8;
	[tilespmem:$0x8080] =	vst v63  }
0x3e: {  	v4 =	vld [tilespmem:$0x20];
	_ =	sdelay $0x4  }
0x3f: {  	v5 =	vshll.u32 v4, $0x1  }
0x40: {  	v4 =	vand.u32 $0x7, v4;
	v5 =	vand.u32 $0xFFFFFFF0, v5  }
0x41: {  	v4 =	vor.u32 v4, v5  }
0x42: {  	v5 =	vperm.xlane v4, v1;
	_ =	sdelay $0x1  }
0x43: {  	v4 =	vperm.xlane v4, v3;
	v5 =	vadd.s32 v2, v5;
	_ =	sdelay $0x1  }
0x44: {  	v4 =	vadd.s32 v2, v4;
	_ =	sdelay $0x2  }
0x45: {  	[tilespmem:s19], [sflag:$0x1] =	stream.indirect_vreg.gather [hbm4b:s1+s3], $0x80, v5, vm0, $0xb8;
	[tilespmem:$0x8080] =	vst v63  }
0x46: {  	_ = 	snop  }
0x47: {  	[tilespmem:s20], [sflag:$0x1] =	stream.indirect_vreg.gather [hbm4b:s1+s3], $0x80, v4, vm0, $0xb8;
	[tilespmem:$0x8080] =	vst v63  }
0x48: {  	v4 =	vld [tilespmem:$0x30];
	_ =	sdelay $0x4  }
0x49: {  	v5 =	vshll.u32 v4, $0x1  }
0x4a: {  	v4 =	vand.u32 $0x7, v4;
	v5 =	vand.u32 $0xFFFFFFF0, v5  }
0x4b: {  	v4 =	vor.u32 v4, v5  }
0x4c: {  	v5 =	vperm.xlane v4, v1;
	_ =	sdelay $0x1  }
0x4d: {  	v4 =	vperm.xlane v4, v3;
	v5 =	vadd.s32 v2, v5;
	_ =	sdelay $0x1  }
0x4e: {  	v4 =	vadd.s32 v2, v4;
	_ =	sdelay $0x2  }
0x4f: {  	[tilespmem:s21], [sflag:$0x1] =	stream.indirect_vreg.gather [hbm4b:s1+s3], $0x80, v5, vm0, $0xb8;
	[tilespmem:$0x8080] =	vst v63  }
0x50: {  	_ = 	snop  }
0x51: {  	[tilespmem:s22], [sflag:$0x1] =	stream.indirect_vreg.gather [hbm4b:s1+s3], $0x80, v4, vm0, $0xb8;
	[tilespmem:$0x8080] =	vst v63  }
0x52: {  	v4 =	vld [tilespmem:$0x40];
	_ =	sdelay $0x4  }
0x53: {  	v5 =	vshll.u32 v4, $0x1  }
0x54: {  	v4 =	vand.u32 $0x7, v4;
	v5 =	vand.u32 $0xFFFFFFF0, v5  }
0x55: {  	v4 =	vor.u32 v4, v5  }
0x56: {  	v5 =	vperm.xlane v4, v1;
	_ =	sdelay $0x1  }
0x57: {  	v4 =	vperm.xlane v4, v3;
	v5 =	vadd.s32 v2, v5;
	_ =	sdelay $0x1  }
0x58: {  	v4 =	vadd.s32 v2, v4;
	_ =	sdelay $0x2  }
0x59: {  	[tilespmem:s23], [sflag:$0x1] =	stream.indirect_vreg.gather [hbm4b:s1+s3], $0x80, v5, vm0, $0xb8;
	[tilespmem:$0x8080] =	vst v63  }
0x5a: {  	_ = 	snop  }
0x5b: {  	[tilespmem:s24], [sflag:$0x1] =	stream.indirect_vreg.gather [hbm4b:s1+s3], $0x80, v4, vm0, $0xb8;
	[tilespmem:$0x8080] =	vst v63  }
0x5c: {  	v4 =	vld [tilespmem:$0x50];
	_ =	sdelay $0x4  }
0x5d: {  	v5 =	vshll.u32 v4, $0x1  }
0x5e: {  	v4 =	vand.u32 $0x7, v4;
	v5 =	vand.u32 $0xFFFFFFF0, v5  }
0x5f: {  	v4 =	vor.u32 v4, v5  }
0x60: {  	v5 =	vperm.xlane v4, v1;
	_ =	sdelay $0x1  }
0x61: {  	v4 =	vperm.xlane v4, v3;
	v5 =	vadd.s32 v2, v5;
	_ =	sdelay $0x1  }
0x62: {  	v4 =	vadd.s32 v2, v4;
	_ =	sdelay $0x2  }
0x63: {  	[tilespmem:s25], [sflag:$0x1] =	stream.indirect_vreg.gather [hbm4b:s1+s3], $0x80, v5, vm0, $0xb8;
	[tilespmem:$0x8080] =	vst v63  }
0x64: {  	_ = 	snop  }
0x65: {  	[tilespmem:s26], [sflag:$0x1] =	stream.indirect_vreg.gather [hbm4b:s1+s3], $0x80, v4, vm0, $0xb8;
	[tilespmem:$0x8080] =	vst v63  }
0x66: {  	v4 =	vld [tilespmem:$0x60];
	_ =	sdelay $0x4  }
0x67: {  	v5 =	vshll.u32 v4, $0x1  }
0x68: {  	v4 =	vand.u32 $0x7, v4;
	v5 =	vand.u32 $0xFFFFFFF0, v5  }
0x69: {  	v4 =	vor.u32 v4, v5  }
0x6a: {  	v5 =	vperm.xlane v4, v1;
	_ =	sdelay $0x1  }
0x6b: {  	v4 =	vperm.xlane v4, v3;
	v5 =	vadd.s32 v2, v5;
	_ =	sdelay $0x1  }
0x6c: {  	v4 =	vadd.s32 v2, v4;
	_ =	sdelay $0x2  }
0x6d: {  	[tilespmem:s28], [sflag:$0x1] =	stream.indirect_vreg.gather [hbm4b:s1+s3], $0x80, v5, vm0, $0xb8;
	[tilespmem:$0x8080] =	vst v63  }
0x6e: {  	_ = 	snop  }
0x6f: {  	[tilespmem:s29], [sflag:$0x1] =	stream.indirect_vreg.gather [hbm4b:s1+s3], $0x80, v4, vm0, $0xb8;
	[tilespmem:$0x8080] =	vst v63  }
0x70: {  	v4 =	vld [tilespmem:$0x70];
	_ =	sdelay $0x4  }
0x71: {  	v5 =	vshll.u32 v4, $0x1  }
0x72: {  	v4 =	vand.u32 $0x7, v4;
	v5 =	vand.u32 $0xFFFFFFF0, v5  }
0x73: {  	v4 =	vor.u32 v4, v5  }
0x74: {  	v5 =	vperm.xlane v4, v1;
	_ =	sdelay $0x1  }
0x75: {  	v4 =	vperm.xlane v4, v3;
	v5 =	vadd.s32 v2, v5;
	_ =	sdelay $0x1  }
0x76: {  	v4 =	vadd.s32 v2, v4;
	_ =	sdelay $0x2  }
0x77: {  	[tilespmem:s30], [sflag:$0x1] =	stream.indirect_vreg.gather [hbm4b:s1+s3], $0x80, v5, vm0, $0xb8;
	[tilespmem:$0x8080] =	vst v63  }
0x78: {  	_ = 	snop  }
0x79: {  	[tilespmem:s31], [sflag:$0x1] =	stream.indirect_vreg.gather [hbm4b:s1+s3], $0x80, v4, vm0, $0xb8;
	[tilespmem:$0x8080] =	vst v63  }
0x7a: {  	_ =	swait.ge [sflag:s0], $0x8000  }
0x7b: {  	[sflag:s0] =	ssyncset.done $0x0  }
0x7c: {  	s2 =	rddreg [dreg:$0x5];
	[sflag:s0] =	ssyncadd.s32 $0xFFFF8000  }
0x7d: {  	[hbm4b:s2+s3] =	stream.linear.scatter [tilespmem:s15], [sflag:$0x2], $0x8000, $0x38;
	[tilespmem:$0x8080] =	vst v63  }
0x7e: {  	_ =	swait.ge [sflag:s14], $0x8000  }
0x7f: {  	[sflag:s14] =	ssyncset.done $0x0  }
0x80: {  	s2 =	rddreg [dreg:$0x6];
	[sflag:s14] =	ssyncadd.s32 $0xFFFF8000  }
0x81: {  	[tilespmem:s3], [sflag:$0x2] =	stream.linear.gather [hbm4b:s2+s3], $0x80, $0x38;
	[tilespmem:$0x8080] =	vst v63  }
0x82: {  	_ =	swait.ge [sflag:s14], $0x80  }
0x83: {  	[sflag:s14] =	ssyncset.done $0x0  }
0x84: {  	[sflag:s14] =	ssyncadd.s32 $0xFFFFFF80  }
0x85: {  	v4 =	vld [tilespmem:$0x0];
	_ =	sdelay $0x2  }
0x86: {  	v5 =	vld [tilespmem:$0x10]  }
0x87: {  	v53 =	vld [tilespmem:$0x20]  }
0x88: {  	v55 =	vld [tilespmem:$0x30];
	v54 =	vadd.s32 v0, v4  }
0x89: {  	v56 =	vld [tilespmem:$0x40];
	v57 =	vshll.u32 v54, $0x1  }
0x8a: {  	v58 =	vld [tilespmem:$0x50];
	v4 =	vand.u32 $0x7, v4;
	v10 =	vand.u32 $0xFFFFFFF0, v57  }
0x8b: {  	v59 =	vld [tilespmem:$0x60];
	v5 =	vadd.s32 v0, v5;
	[tilespmem:$0x0] =	vst v54;
	v4 =	vor.u32 v4, v10  }
0x8c: {  	v60 =	vld [tilespmem:$0x70];
	[tilespmem:$0x10] =	vst v5;
	v5 =	vadd.s32 v0, v53;
	v10 =	vperm.xlane v4, v1  }
0x8d: {  	[tilespmem:$0x20] =	vst v5;
	v5 =	vadd.s32 v0, v55  }
0x8e: {  	[tilespmem:$0x30] =	vst v5;
	v5 =	vadd.s32 v0, v56;
	v4 =	vperm.xlane v4, v3;
	v61 =	vadd.s32 v2, v10  }
0x8f: {  	[tilespmem:$0x40] =	vst v5;
	v5 =	vadd.s32 v0, v58  }
0x90: {  	[tilespmem:$0x50] =	vst v5;
	v5 =	vadd.s32 v0, v59;
	v4 =	vadd.s32 v2, v4  }
0x91: {  	[tilespmem:$0x60] =	vst v5;
	v5 =	vadd.s32 v0, v60  }
0x92: {  	[tilespmem:$0x70] =	vst v5  }
0x93: {  	[tilespmem:s15], [sflag:$0x1] =	stream.indirect_vreg.gather [hbm4b:s1+s3], $0x80, v61, vm0, $0xb8;
	[tilespmem:$0x8080] =	vst v63  }
0x94: {  	_ = 	snop  }
0x95: {  	[tilespmem:s16], [sflag:$0x1] =	stream.indirect_vreg.gather [hbm4b:s1+s3], $0x80, v4, vm0, $0xb8;
	[tilespmem:$0x8080] =	vst v63  }
0x96: {  	v4 =	vld [tilespmem:$0x10];
	_ =	sdelay $0x4  }
0x97: {  	v5 =	vshll.u32 v4, $0x1  }
0x98: {  	v4 =	vand.u32 $0x7, v4;
	v5 =	vand.u32 $0xFFFFFFF0, v5  }
0x99: {  	v4 =	vor.u32 v4, v5  }
0x9a: {  	v5 =	vperm.xlane v4, v1;
	_ =	sdelay $0x1  }
0x9b: {  	v4 =	vperm.xlane v4, v3;
	v5 =	vadd.s32 v2, v5;
	_ =	sdelay $0x1  }
0x9c: {  	v4 =	vadd.s32 v2, v4;
	_ =	sdelay $0x2  }
0x9d: {  	[tilespmem:s17], [sflag:$0x1] =	stream.indirect_vreg.gather [hbm4b:s1+s3], $0x80, v5, vm0, $0xb8;
	[tilespmem:$0x8080] =	vst v63  }
0x9e: {  	_ = 	snop  }
0x9f: {  	[tilespmem:s18], [sflag:$0x1] =	stream.indirect_vreg.gather [hbm4b:s1+s3], $0x80, v4, vm0, $0xb8;
	[tilespmem:$0x8080] =	vst v63  }
0xa0: {  	v4 =	vld [tilespmem:$0x20];
	_ =	sdelay $0x4  }
0xa1: {  	v5 =	vshll.u32 v4, $0x1  }
0xa2: {  	v4 =	vand.u32 $0x7, v4;
	v5 =	vand.u32 $0xFFFFFFF0, v5  }
0xa3: {  	v4 =	vor.u32 v4, v5  }
0xa4: {  	v5 =	vperm.xlane v4, v1;
	_ =	sdelay $0x1  }
0xa5: {  	v4 =	vperm.xlane v4, v3;
	v5 =	vadd.s32 v2, v5;
	_ =	sdelay $0x1  }
0xa6: {  	v4 =	vadd.s32 v2, v4;
	_ =	sdelay $0x2  }
0xa7: {  	[tilespmem:s19], [sflag:$0x1] =	stream.indirect_vreg.gather [hbm4b:s1+s3], $0x80, v5, vm0, $0xb8;
	[tilespmem:$0x8080] =	vst v63  }
0xa8: {  	_ = 	snop  }
0xa9: {  	[tilespmem:s20], [sflag:$0x1] =	stream.indirect_vreg.gather [hbm4b:s1+s3], $0x80, v4, vm0, $0xb8;
	[tilespmem:$0x8080] =	vst v63  }
0xaa: {  	v4 =	vld [tilespmem:$0x30];
	_ =	sdelay $0x4  }
0xab: {  	v5 =	vshll.u32 v4, $0x1  }
0xac: {  	v4 =	vand.u32 $0x7, v4;
	v5 =	vand.u32 $0xFFFFFFF0, v5  }
0xad: {  	v4 =	vor.u32 v4, v5  }
0xae: {  	v5 =	vperm.xlane v4, v1;
	_ =	sdelay $0x1  }
0xaf: {  	v4 =	vperm.xlane v4, v3;
	v5 =	vadd.s32 v2, v5;
	_ =	sdelay $0x1  }
0xb0: {  	v4 =	vadd.s32 v2, v4;
	_ =	sdelay $0x2  }
0xb1: {  	[tilespmem:s21], [sflag:$0x1] =	stream.indirect_vreg.gather [hbm4b:s1+s3], $0x80, v5, vm0, $0xb8;
	[tilespmem:$0x8080] =	vst v63  }
0xb2: {  	_ = 	snop  }
0xb3: {  	[tilespmem:s22], [sflag:$0x1] =	stream.indirect_vreg.gather [hbm4b:s1+s3], $0x80, v4, vm0, $0xb8;
	[tilespmem:$0x8080] =	vst v63  }
0xb4: {  	v4 =	vld [tilespmem:$0x40];
	_ =	sdelay $0x4  }
0xb5: {  	v5 =	vshll.u32 v4, $0x1  }
0xb6: {  	v4 =	vand.u32 $0x7, v4;
	v5 =	vand.u32 $0xFFFFFFF0, v5  }
0xb7: {  	v4 =	vor.u32 v4, v5  }
0xb8: {  	v5 =	vperm.xlane v4, v1;
	_ =	sdelay $0x1  }
0xb9: {  	v4 =	vperm.xlane v4, v3;
	v5 =	vadd.s32 v2, v5;
	_ =	sdelay $0x1  }
0xba: {  	v4 =	vadd.s32 v2, v4;
	_ =	sdelay $0x2  }
0xbb: {  	[tilespmem:s23], [sflag:$0x1] =	stream.indirect_vreg.gather [hbm4b:s1+s3], $0x80, v5, vm0, $0xb8;
	[tilespmem:$0x8080] =	vst v63  }
0xbc: {  	_ = 	snop  }
0xbd: {  	[tilespmem:s24], [sflag:$0x1] =	stream.indirect_vreg.gather [hbm4b:s1+s3], $0x80, v4, vm0, $0xb8;
	[tilespmem:$0x8080] =	vst v63  }
0xbe: {  	v4 =	vld [tilespmem:$0x50];
	_ =	sdelay $0x4  }
0xbf: {  	v5 =	vshll.u32 v4, $0x1  }
0xc0: {  	v4 =	vand.u32 $0x7, v4;
	v5 =	vand.u32 $0xFFFFFFF0, v5  }
0xc1: {  	v4 =	vor.u32 v4, v5  }
0xc2: {  	v5 =	vperm.xlane v4, v1;
	_ =	sdelay $0x1  }
0xc3: {  	v4 =	vperm.xlane v4, v3;
	v5 =	vadd.s32 v2, v5;
	_ =	sdelay $0x1  }
0xc4: {  	v4 =	vadd.s32 v2, v4;
	_ =	sdelay $0x2  }
0xc5: {  	[tilespmem:s25], [sflag:$0x1] =	stream.indirect_vreg.gather [hbm4b:s1+s3], $0x80, v5, vm0, $0xb8;
	[tilespmem:$0x8080] =	vst v63  }
0xc6: {  	_ = 	snop  }
0xc7: {  	[tilespmem:s26], [sflag:$0x1] =	stream.indirect_vreg.gather [hbm4b:s1+s3], $0x80, v4, vm0, $0xb8;
	[tilespmem:$0x8080] =	vst v63  }
0xc8: {  	v4 =	vld [tilespmem:$0x60];
	_ =	sdelay $0x4  }
0xc9: {  	v5 =	vshll.u32 v4, $0x1  }
0xca: {  	v4 =	vand.u32 $0x7, v4;
	v5 =	vand.u32 $0xFFFFFFF0, v5  }
0xcb: {  	v4 =	vor.u32 v4, v5  }
0xcc: {  	v5 =	vperm.xlane v4, v1;
	_ =	sdelay $0x1  }
0xcd: {  	v4 =	vperm.xlane v4, v3;
	v5 =	vadd.s32 v2, v5;
	_ =	sdelay $0x1  }
0xce: {  	v4 =	vadd.s32 v2, v4;
	_ =	sdelay $0x2  }
0xcf: {  	[tilespmem:s28], [sflag:$0x1] =	stream.indirect_vreg.gather [hbm4b:s1+s3], $0x80, v5, vm0, $0xb8;
	[tilespmem:$0x8080] =	vst v63  }
0xd0: {  	_ = 	snop  }
0xd1: {  	[tilespmem:s29], [sflag:$0x1] =	stream.indirect_vreg.gather [hbm4b:s1+s3], $0x80, v4, vm0, $0xb8;
	[tilespmem:$0x8080] =	vst v63  }
0xd2: {  	v4 =	vld [tilespmem:$0x70];
	_ =	sdelay $0x4  }
0xd3: {  	v5 =	vshll.u32 v4, $0x1  }
0xd4: {  	v4 =	vand.u32 $0x7, v4;
	v5 =	vand.u32 $0xFFFFFFF0, v5  }
0xd5: {  	v4 =	vor.u32 v4, v5  }
0xd6: {  	v5 =	vperm.xlane v4, v1;
	_ =	sdelay $0x1  }
0xd7: {  	v4 =	vperm.xlane v4, v3;
	v5 =	vadd.s32 v2, v5;
	_ =	sdelay $0x1  }
0xd8: {  	v4 =	vadd.s32 v2, v4;
	_ =	sdelay $0x2  }
0xd9: {  	[tilespmem:s30], [sflag:$0x1] =	stream.indirect_vreg.gather [hbm4b:s1+s3], $0x80, v5, vm0, $0xb8;
	[tilespmem:$0x8080] =	vst v63  }
0xda: {  	_ = 	snop  }
0xdb: {  	[tilespmem:s31], [sflag:$0x1] =	stream.indirect_vreg.gather [hbm4b:s1+s3], $0x80, v4, vm0, $0xb8;
	[tilespmem:$0x8080] =	vst v63  }
0xdc: {  	_ =	swait.ge [sflag:s0], $0x8000  }
0xdd: {  	[sflag:s0] =	ssyncset.done $0x0  }
0xde: {  	s2 =	rddreg [dreg:$0x7];
	[sflag:s0] =	ssyncadd.s32 $0xFFFF8000  }
0xdf: {  	[hbm4b:s2+s3] =	stream.linear.scatter [tilespmem:s15], [sflag:$0x2], $0x8000, $0x38;
	[tilespmem:$0x8080] =	vst v63  }
0xe0: {  	_ =	swait.ge [sflag:s14], $0x8000  }
0xe1: {  	[sflag:s14] =	ssyncset.done $0x0  }
0xe2: {  	s2 =	rddreg [dreg:$0x8];
	[sflag:s14] =	ssyncadd.s32 $0xFFFF8000  }
0xe3: {  	[tilespmem:s3], [sflag:$0x2] =	stream.linear.gather [hbm4b:s2+s3], $0x80, $0x38;
	[tilespmem:$0x8080] =	vst v63  }
0xe4: {  	_ =	swait.ge [sflag:s14], $0x80  }
0xe5: {  	[sflag:s14] =	ssyncset.done $0x0  }
0xe6: {  	[sflag:s14] =	ssyncadd.s32 $0xFFFFFF80  }
0xe7: {  	v4 =	vld [tilespmem:$0x0];
	_ =	sdelay $0x2  }
0xe8: {  	v5 =	vld [tilespmem:$0x10]  }
0xe9: {  	v62 =	vld [tilespmem:$0x20]  }
0xea: {  	v12 =	vld [tilespmem:$0x30];
	v63 =	vadd.s32 v0, v4  }
0xeb: {  	v13 =	vld [tilespmem:$0x40];
	v14 =	vshll.u32 v63, $0x1  }
0xec: {  	v15 =	vld [tilespmem:$0x50];
	v4 =	vand.u32 $0x7, v4;
	v10 =	vand.u32 $0xFFFFFFF0, v14  }
0xed: {  	v16 =	vld [tilespmem:$0x60];
	v5 =	vadd.s32 v0, v5;
	[tilespmem:$0x0] =	vst v63;
	v4 =	vor.u32 v4, v10  }
0xee: {  	v17 =	vld [tilespmem:$0x70];
	[tilespmem:$0x10] =	vst v5;
	v5 =	vadd.s32 v0, v62;
	v10 =	vperm.xlane v4, v1  }
0xef: {  	[tilespmem:$0x20] =	vst v5;
	v5 =	vadd.s32 v0, v12  }
0xf0: {  	[tilespmem:$0x30] =	vst v5;
	v5 =	vadd.s32 v0, v13;
	v4 =	vperm.xlane v4, v3;
	v18 =	vadd.s32 v2, v10  }
0xf1: {  	[tilespmem:$0x40] =	vst v5;
	v5 =	vadd.s32 v0, v15  }
0xf2: {  	[tilespmem:$0x50] =	vst v5;
	v5 =	vadd.s32 v0, v16;
	v4 =	vadd.s32 v2, v4  }
0xf3: {  	[tilespmem:$0x60] =	vst v5;
	v5 =	vadd.s32 v0, v17  }
0xf4: {  	[tilespmem:$0x70] =	vst v5  }
0xf5: {  	[tilespmem:s15], [sflag:$0x1] =	stream.indirect_vreg.gather [hbm4b:s1+s3], $0x80, v18, vm0, $0xb8;
	[tilespmem:$0x8080] =	vst v63  }
0xf6: {  	_ = 	snop  }
0xf7: {  	[tilespmem:s16], [sflag:$0x1] =	stream.indirect_vreg.gather [hbm4b:s1+s3], $0x80, v4, vm0, $0xb8;
	[tilespmem:$0x8080] =	vst v63  }
0xf8: {  	v4 =	vld [tilespmem:$0x10];
	_ =	sdelay $0x4  }
0xf9: {  	v5 =	vshll.u32 v4, $0x1  }
0xfa: {  	v4 =	vand.u32 $0x7, v4;
	v5 =	vand.u32 $0xFFFFFFF0, v5  }
0xfb: {  	v4 =	vor.u32 v4, v5  }
0xfc: {  	v5 =	vperm.xlane v4, v1;
	_ =	sdelay $0x1  }
0xfd: {  	v4 =	vperm.xlane v4, v3;
	v5 =	vadd.s32 v2, v5;
	_ =	sdelay $0x1  }
0xfe: {  	v4 =	vadd.s32 v2, v4;
	_ =	sdelay $0x2  }
0xff: {  	[tilespmem:s17], [sflag:$0x1] =	stream.indirect_vreg.gather [hbm4b:s1+s3], $0x80, v5, vm0, $0xb8;
	[tilespmem:$0x8080] =	vst v63  }
0x100: {  	_ = 	snop  }
0x101: {  	[tilespmem:s18], [sflag:$0x1] =	stream.indirect_vreg.gather [hbm4b:s1+s3], $0x80, v4, vm0, $0xb8;
	[tilespmem:$0x8080] =	vst v63  }
0x102: {  	v4 =	vld [tilespmem:$0x20];
	_ =	sdelay $0x4  }
0x103: {  	v5 =	vshll.u32 v4, $0x1  }
0x104: {  	v4 =	vand.u32 $0x7, v4;
	v5 =	vand.u32 $0xFFFFFFF0, v5  }
0x105: {  	v4 =	vor.u32 v4, v5  }
0x106: {  	v5 =	vperm.xlane v4, v1;
	_ =	sdelay $0x1  }
0x107: {  	v4 =	vperm.xlane v4, v3;
	v5 =	vadd.s32 v2, v5;
	_ =	sdelay $0x1  }
0x108: {  	v4 =	vadd.s32 v2, v4;
	_ =	sdelay $0x2  }
0x109: {  	[tilespmem:s19], [sflag:$0x1] =	stream.indirect_vreg.gather [hbm4b:s1+s3], $0x80, v5, vm0, $0xb8;
	[tilespmem:$0x8080] =	vst v63  }
0x10a: {  	_ = 	snop  }
0x10b: {  	[tilespmem:s20], [sflag:$0x1] =	stream.indirect_vreg.gather [hbm4b:s1+s3], $0x80, v4, vm0, $0xb8;
	[tilespmem:$0x8080] =	vst v63  }
0x10c: {  	v4 =	vld [tilespmem:$0x30];
	_ =	sdelay $0x4  }
0x10d: {  	v5 =	vshll.u32 v4, $0x1  }
0x10e: {  	v4 =	vand.u32 $0x7, v4;
	v5 =	vand.u32 $0xFFFFFFF0, v5  }
0x10f: {  	v4 =	vor.u32 v4, v5  }
0x110: {  	v5 =	vperm.xlane v4, v1;
	_ =	sdelay $0x1  }
0x111: {  	v4 =	vperm.xlane v4, v3;
	v5 =	vadd.s32 v2, v5;
	_ =	sdelay $0x1  }
0x112: {  	v4 =	vadd.s32 v2, v4;
	_ =	sdelay $0x2  }
0x113: {  	[tilespmem:s21], [sflag:$0x1] =	stream.indirect_vreg.gather [hbm4b:s1+s3], $0x80, v5, vm0, $0xb8;
	[tilespmem:$0x8080] =	vst v63  }
0x114: {  	_ = 	snop  }
0x115: {  	[tilespmem:s22], [sflag:$0x1] =	stream.indirect_vreg.gather [hbm4b:s1+s3], $0x80, v4, vm0, $0xb8;
	[tilespmem:$0x8080] =	vst v63  }
0x116: {  	v4 =	vld [tilespmem:$0x40];
	_ =	sdelay $0x4  }
0x117: {  	v5 =	vshll.u32 v4, $0x1  }
0x118: {  	v4 =	vand.u32 $0x7, v4;
	v5 =	vand.u32 $0xFFFFFFF0, v5  }
0x119: {  	v4 =	vor.u32 v4, v5  }
0x11a: {  	v5 =	vperm.xlane v4, v1;
	_ =	sdelay $0x1  }
0x11b: {  	v4 =	vperm.xlane v4, v3;
	v5 =	vadd.s32 v2, v5;
	_ =	sdelay $0x1  }
0x11c: {  	v4 =	vadd.s32 v2, v4;
	_ =	sdelay $0x2  }
0x11d: {  	[tilespmem:s23], [sflag:$0x1] =	stream.indirect_vreg.gather [hbm4b:s1+s3], $0x80, v5, vm0, $0xb8;
	[tilespmem:$0x8080] =	vst v63  }
0x11e: {  	_ = 	snop  }
0x11f: {  	[tilespmem:s24], [sflag:$0x1] =	stream.indirect_vreg.gather [hbm4b:s1+s3], $0x80, v4, vm0, $0xb8;
	[tilespmem:$0x8080] =	vst v63  }
0x120: {  	v4 =	vld [tilespmem:$0x50];
	_ =	sdelay $0x4  }
0x121: {  	v5 =	vshll.u32 v4, $0x1  }
0x122: {  	v4 =	vand.u32 $0x7, v4;
	v5 =	vand.u32 $0xFFFFFFF0, v5  }
0x123: {  	v4 =	vor.u32 v4, v5  }
0x124: {  	v5 =	vperm.xlane v4, v1;
	_ =	sdelay $0x1  }
0x125: {  	v4 =	vperm.xlane v4, v3;
	v5 =	vadd.s32 v2, v5;
	_ =	sdelay $0x1  }
0x126: {  	v4 =	vadd.s32 v2, v4;
	_ =	sdelay $0x2  }
0x127: {  	[tilespmem:s25], [sflag:$0x1] =	stream.indirect_vreg.gather [hbm4b:s1+s3], $0x80, v5, vm0, $0xb8;
	[tilespmem:$0x8080] =	vst v63  }
0x128: {  	_ = 	snop  }
0x129: {  	[tilespmem:s26], [sflag:$0x1] =	stream.indirect_vreg.gather [hbm4b:s1+s3], $0x80, v4, vm0, $0xb8;
	[tilespmem:$0x8080] =	vst v63  }
0x12a: {  	v4 =	vld [tilespmem:$0x60];
	_ =	sdelay $0x4  }
0x12b: {  	v5 =	vshll.u32 v4, $0x1  }
0x12c: {  	v4 =	vand.u32 $0x7, v4;
	v5 =	vand.u32 $0xFFFFFFF0, v5  }
0x12d: {  	v4 =	vor.u32 v4, v5  }
0x12e: {  	v5 =	vperm.xlane v4, v1;
	_ =	sdelay $0x1  }
0x12f: {  	v4 =	vperm.xlane v4, v3;
	v5 =	vadd.s32 v2, v5;
	_ =	sdelay $0x1  }
0x130: {  	v4 =	vadd.s32 v2, v4;
	_ =	sdelay $0x2  }
0x131: {  	[tilespmem:s28], [sflag:$0x1] =	stream.indirect_vreg.gather [hbm4b:s1+s3], $0x80, v5, vm0, $0xb8;
	[tilespmem:$0x8080] =	vst v63  }
0x132: {  	_ = 	snop  }
0x133: {  	[tilespmem:s29], [sflag:$0x1] =	stream.indirect_vreg.gather [hbm4b:s1+s3], $0x80, v4, vm0, $0xb8;
	[tilespmem:$0x8080] =	vst v63  }
0x134: {  	v4 =	vld [tilespmem:$0x70];
	_ =	sdelay $0x4  }
0x135: {  	v5 =	vshll.u32 v4, $0x1  }
0x136: {  	v4 =	vand.u32 $0x7, v4;
	v5 =	vand.u32 $0xFFFFFFF0, v5  }
0x137: {  	v4 =	vor.u32 v4, v5  }
0x138: {  	v5 =	vperm.xlane v4, v1;
	_ =	sdelay $0x1  }
0x139: {  	v4 =	vperm.xlane v4, v3;
	v5 =	vadd.s32 v2, v5;
	_ =	sdelay $0x1  }
0x13a: {  	v4 =	vadd.s32 v2, v4;
	_ =	sdelay $0x2  }
0x13b: {  	[tilespmem:s30], [sflag:$0x1] =	stream.indirect_vreg.gather [hbm4b:s1+s3], $0x80, v5, vm0, $0xb8;
	[tilespmem:$0x8080] =	vst v63  }
0x13c: {  	_ = 	snop  }
0x13d: {  	[tilespmem:s31], [sflag:$0x1] =	stream.indirect_vreg.gather [hbm4b:s1+s3], $0x80, v4, vm0, $0xb8;
	[tilespmem:$0x8080] =	vst v63  }
0x13e: {  	_ =	swait.ge [sflag:s0], $0x8000  }
0x13f: {  	[sflag:s0] =	ssyncset.done $0x0  }
0x140: {  	s2 =	rddreg [dreg:$0x9];
	[sflag:s0] =	ssyncadd.s32 $0xFFFF8000  }
0x141: {  	[hbm4b:s2+s3] =	stream.linear.scatter [tilespmem:s15], [sflag:$0x2], $0x8000, $0x38;
	[tilespmem:$0x8080] =	vst v63  }
0x142: {  	_ =	swait.ge [sflag:s14], $0x8000  }
0x143: {  	[sflag:s14] =	ssyncset.done $0x0  }
0x144: {  	s2 =	rddreg [dreg:$0xa];
	[sflag:s14] =	ssyncadd.s32 $0xFFFF8000  }
0x145: {  	[tilespmem:s3], [sflag:$0x2] =	stream.linear.gather [hbm4b:s2+s3], $0x80, $0x38;
	[tilespmem:$0x8080] =	vst v63  }
0x146: {  	_ =	swait.ge [sflag:s14], $0x80  }
0x147: {  	[sflag:s14] =	ssyncset.done $0x0  }
0x148: {  	[sflag:s14] =	ssyncadd.s32 $0xFFFFFF80  }
0x149: {  	v4 =	vld [tilespmem:$0x0];
	_ =	sdelay $0x2  }
0x14a: {  	v5 =	vld [tilespmem:$0x10]  }
0x14b: {  	v19 =	vld [tilespmem:$0x20]  }
0x14c: {  	v21 =	vld [tilespmem:$0x30];
	v20 =	vadd.s32 v0, v4  }
0x14d: {  	v22 =	vld [tilespmem:$0x40];
	v23 =	vshll.u32 v20, $0x1  }
0x14e: {  	v24 =	vld [tilespmem:$0x50];
	v4 =	vand.u32 $0x7, v4;
	v10 =	vand.u32 $0xFFFFFFF0, v23  }
0x14f: {  	v25 =	vld [tilespmem:$0x60];
	v5 =	vadd.s32 v0, v5;
	[tilespmem:$0x0] =	vst v20;
	v4 =	vor.u32 v4, v10  }
0x150: {  	v26 =	vld [tilespmem:$0x70];
	[tilespmem:$0x10] =	vst v5;
	v5 =	vadd.s32 v0, v19;
	v10 =	vperm.xlane v4, v1  }
0x151: {  	[tilespmem:$0x20] =	vst v5;
	v5 =	vadd.s32 v0, v21  }
0x152: {  	[tilespmem:$0x30] =	vst v5;
	v5 =	vadd.s32 v0, v22;
	v4 =	vperm.xlane v4, v3;
	v27 =	vadd.s32 v2, v10  }
0x153: {  	[tilespmem:$0x40] =	vst v5;
	v5 =	vadd.s32 v0, v24  }
0x154: {  	[tilespmem:$0x50] =	vst v5;
	v5 =	vadd.s32 v0, v25;
	v4 =	vadd.s32 v2, v4  }
0x155: {  	[tilespmem:$0x60] =	vst v5;
	v5 =	vadd.s32 v0, v26  }
0x156: {  	[tilespmem:$0x70] =	vst v5  }
0x157: {  	[tilespmem:s15], [sflag:$0x1] =	stream.indirect_vreg.gather [hbm4b:s1+s3], $0x80, v27, vm0, $0xb8;
	[tilespmem:$0x8080] =	vst v63  }
0x158: {  	_ = 	snop  }
0x159: {  	[tilespmem:s16], [sflag:$0x1] =	stream.indirect_vreg.gather [hbm4b:s1+s3], $0x80, v4, vm0, $0xb8;
	[tilespmem:$0x8080] =	vst v63  }
0x15a: {  	v4 =	vld [tilespmem:$0x10];
	_ =	sdelay $0x4  }
0x15b: {  	v5 =	vshll.u32 v4, $0x1  }
0x15c: {  	v4 =	vand.u32 $0x7, v4;
	v5 =	vand.u32 $0xFFFFFFF0, v5  }
0x15d: {  	v4 =	vor.u32 v4, v5  }
0x15e: {  	v5 =	vperm.xlane v4, v1;
	_ =	sdelay $0x1  }
0x15f: {  	v4 =	vperm.xlane v4, v3;
	v5 =	vadd.s32 v2, v5;
	_ =	sdelay $0x1  }
0x160: {  	v4 =	vadd.s32 v2, v4;
	_ =	sdelay $0x2  }
0x161: {  	[tilespmem:s17], [sflag:$0x1] =	stream.indirect_vreg.gather [hbm4b:s1+s3], $0x80, v5, vm0, $0xb8;
	[tilespmem:$0x8080] =	vst v63  }
0x162: {  	_ = 	snop  }
0x163: {  	[tilespmem:s18], [sflag:$0x1] =	stream.indirect_vreg.gather [hbm4b:s1+s3], $0x80, v4, vm0, $0xb8;
	[tilespmem:$0x8080] =	vst v63  }
0x164: {  	v4 =	vld [tilespmem:$0x20];
	_ =	sdelay $0x4  }
0x165: {  	v5 =	vshll.u32 v4, $0x1  }
0x166: {  	v4 =	vand.u32 $0x7, v4;
	v5 =	vand.u32 $0xFFFFFFF0, v5  }
0x167: {  	v4 =	vor.u32 v4, v5  }
0x168: {  	v5 =	vperm.xlane v4, v1;
	_ =	sdelay $0x1  }
0x169: {  	v4 =	vperm.xlane v4, v3;
	v5 =	vadd.s32 v2, v5;
	_ =	sdelay $0x1  }
0x16a: {  	v4 =	vadd.s32 v2, v4;
	_ =	sdelay $0x2  }
0x16b: {  	[tilespmem:s19], [sflag:$0x1] =	stream.indirect_vreg.gather [hbm4b:s1+s3], $0x80, v5, vm0, $0xb8;
	[tilespmem:$0x8080] =	vst v63  }
0x16c: {  	_ = 	snop  }
0x16d: {  	[tilespmem:s20], [sflag:$0x1] =	stream.indirect_vreg.gather [hbm4b:s1+s3], $0x80, v4, vm0, $0xb8;
	[tilespmem:$0x8080] =	vst v63  }
0x16e: {  	v4 =	vld [tilespmem:$0x30];
	_ =	sdelay $0x4  }
0x16f: {  	v5 =	vshll.u32 v4, $0x1  }
0x170: {  	v4 =	vand.u32 $0x7, v4;
	v5 =	vand.u32 $0xFFFFFFF0, v5  }
0x171: {  	v4 =	vor.u32 v4, v5  }
0x172: {  	v5 =	vperm.xlane v4, v1;
	_ =	sdelay $0x1  }
0x173: {  	v4 =	vperm.xlane v4, v3;
	v5 =	vadd.s32 v2, v5;
	_ =	sdelay $0x1  }
0x174: {  	v4 =	vadd.s32 v2, v4;
	_ =	sdelay $0x2  }
0x175: {  	[tilespmem:s21], [sflag:$0x1] =	stream.indirect_vreg.gather [hbm4b:s1+s3], $0x80, v5, vm0, $0xb8;
	[tilespmem:$0x8080] =	vst v63  }
0x176: {  	_ = 	snop  }
0x177: {  	[tilespmem:s22], [sflag:$0x1] =	stream.indirect_vreg.gather [hbm4b:s1+s3], $0x80, v4, vm0, $0xb8;
	[tilespmem:$0x8080] =	vst v63  }
0x178: {  	v4 =	vld [tilespmem:$0x40];
	_ =	sdelay $0x4  }
0x179: {  	v5 =	vshll.u32 v4, $0x1  }
0x17a: {  	v4 =	vand.u32 $0x7, v4;
	v5 =	vand.u32 $0xFFFFFFF0, v5  }
0x17b: {  	v4 =	vor.u32 v4, v5  }
0x17c: {  	v5 =	vperm.xlane v4, v1;
	_ =	sdelay $0x1  }
0x17d: {  	v4 =	vperm.xlane v4, v3;
	v5 =	vadd.s32 v2, v5;
	_ =	sdelay $0x1  }
0x17e: {  	v4 =	vadd.s32 v2, v4;
	_ =	sdelay $0x2  }
0x17f: {  	[tilespmem:s23], [sflag:$0x1] =	stream.indirect_vreg.gather [hbm4b:s1+s3], $0x80, v5, vm0, $0xb8;
	[tilespmem:$0x8080] =	vst v63  }
0x180: {  	_ = 	snop  }
0x181: {  	[tilespmem:s24], [sflag:$0x1] =	stream.indirect_vreg.gather [hbm4b:s1+s3], $0x80, v4, vm0, $0xb8;
	[tilespmem:$0x8080] =	vst v63  }
0x182: {  	v4 =	vld [tilespmem:$0x50];
	_ =	sdelay $0x4  }
0x183: {  	v5 =	vshll.u32 v4, $0x1  }
0x184: {  	v4 =	vand.u32 $0x7, v4;
	v5 =	vand.u32 $0xFFFFFFF0, v5  }
0x185: {  	v4 =	vor.u32 v4, v5  }
0x186: {  	v5 =	vperm.xlane v4, v1;
	_ =	sdelay $0x1  }
0x187: {  	v4 =	vperm.xlane v4, v3;
	v5 =	vadd.s32 v2, v5;
	_ =	sdelay $0x1  }
0x188: {  	v4 =	vadd.s32 v2, v4;
	_ =	sdelay $0x2  }
0x189: {  	[tilespmem:s25], [sflag:$0x1] =	stream.indirect_vreg.gather [hbm4b:s1+s3], $0x80, v5, vm0, $0xb8;
	[tilespmem:$0x8080] =	vst v63  }
0x18a: {  	_ = 	snop  }
0x18b: {  	[tilespmem:s26], [sflag:$0x1] =	stream.indirect_vreg.gather [hbm4b:s1+s3], $0x80, v4, vm0, $0xb8;
	[tilespmem:$0x8080] =	vst v63  }
0x18c: {  	v4 =	vld [tilespmem:$0x60];
	_ =	sdelay $0x4  }
0x18d: {  	v5 =	vshll.u32 v4, $0x1  }
0x18e: {  	v4 =	vand.u32 $0x7, v4;
	v5 =	vand.u32 $0xFFFFFFF0, v5  }
0x18f: {  	v4 =	vor.u32 v4, v5  }
0x190: {  	v5 =	vperm.xlane v4, v1;
	_ =	sdelay $0x1  }
0x191: {  	v4 =	vperm.xlane v4, v3;
	v5 =	vadd.s32 v2, v5;
	_ =	sdelay $0x1  }
0x192: {  	v4 =	vadd.s32 v2, v4;
	_ =	sdelay $0x2  }
0x193: {  	[tilespmem:s28], [sflag:$0x1] =	stream.indirect_vreg.gather [hbm4b:s1+s3], $0x80, v5, vm0, $0xb8;
	[tilespmem:$0x8080] =	vst v63  }
0x194: {  	_ = 	snop  }
0x195: {  	[tilespmem:s29], [sflag:$0x1] =	stream.indirect_vreg.gather [hbm4b:s1+s3], $0x80, v4, vm0, $0xb8;
	[tilespmem:$0x8080] =	vst v63  }
0x196: {  	v4 =	vld [tilespmem:$0x70];
	_ =	sdelay $0x4  }
0x197: {  	v5 =	vshll.u32 v4, $0x1  }
0x198: {  	v4 =	vand.u32 $0x7, v4;
	v5 =	vand.u32 $0xFFFFFFF0, v5  }
0x199: {  	v4 =	vor.u32 v4, v5  }
0x19a: {  	v5 =	vperm.xlane v4, v1;
	_ =	sdelay $0x1  }
0x19b: {  	v4 =	vperm.xlane v4, v3;
	v5 =	vadd.s32 v2, v5;
	_ =	sdelay $0x1  }
0x19c: {  	v4 =	vadd.s32 v2, v4;
	_ =	sdelay $0x2  }
0x19d: {  	[tilespmem:s30], [sflag:$0x1] =	stream.indirect_vreg.gather [hbm4b:s1+s3], $0x80, v5, vm0, $0xb8;
	[tilespmem:$0x8080] =	vst v63  }
0x19e: {  	_ = 	snop  }
0x19f: {  	[tilespmem:s31], [sflag:$0x1] =	stream.indirect_vreg.gather [hbm4b:s1+s3], $0x80, v4, vm0, $0xb8;
	[tilespmem:$0x8080] =	vst v63  }
0x1a0: {  	_ =	swait.ge [sflag:s0], $0x8000  }
0x1a1: {  	[sflag:s0] =	ssyncset.done $0x0  }
0x1a2: {  	[sflag:s0] =	ssyncadd.s32 $0xFFFF8000  }
0x1a3: {  	[hbm4b:s4+s3] =	stream.linear.scatter [tilespmem:s15], [sflag:$0x2], $0x8000, $0x38;
	[tilespmem:$0x8080] =	vst v63  }
0x1a4: {  	_ =	swait.ge [sflag:s14], $0x8000  }
0x1a5: {  	[sflag:s14] =	ssyncset.done $0x0  }
0x1a6: {  	[sflag:s14] =	ssyncadd.s32 $0xFFFF8000  }
0x1a7: {  	[tilespmem:s3], [sflag:$0x2] =	stream.linear.gather [hbm4b:s5+s3], $0x80, $0x38;
	[tilespmem:$0x8080] =	vst v63  }
0x1a8: {  	_ =	swait.ge [sflag:s14], $0x80  }
0x1a9: {  	[sflag:s14] =	ssyncset.done $0x0  }
0x1aa: {  	[sflag:s14] =	ssyncadd.s32 $0xFFFFFF80  }
0x1ab: {  	v4 =	vld [tilespmem:$0x0];
	_ =	sdelay $0x2  }
0x1ac: {  	v5 =	vld [tilespmem:$0x10]  }
0x1ad: {  	v28 =	vld [tilespmem:$0x20]  }
0x1ae: {  	v30 =	vld [tilespmem:$0x30];
	v29 =	vadd.s32 v0, v4  }
0x1af: {  	v31 =	vld [tilespmem:$0x40];
	v32 =	vshll.u32 v29, $0x1  }
0x1b0: {  	v33 =	vld [tilespmem:$0x50];
	v4 =	vand.u32 $0x7, v4;
	v10 =	vand.u32 $0xFFFFFFF0, v32  }
0x1b1: {  	v34 =	vld [tilespmem:$0x60];
	v5 =	vadd.s32 v0, v5;
	[tilespmem:$0x0] =	vst v29;
	v4 =	vor.u32 v4, v10  }
0x1b2: {  	v35 =	vld [tilespmem:$0x70];
	[tilespmem:$0x10] =	vst v5;
	v5 =	vadd.s32 v0, v28;
	v10 =	vperm.xlane v4, v1  }
0x1b3: {  	[tilespmem:$0x20] =	vst v5;
	v5 =	vadd.s32 v0, v30  }
0x1b4: {  	[tilespmem:$0x30] =	vst v5;
	v5 =	vadd.s32 v0, v31;
	v4 =	vperm.xlane v4, v3;
	v36 =	vadd.s32 v2, v10  }
0x1b5: {  	[tilespmem:$0x40] =	vst v5;
	v5 =	vadd.s32 v0, v33  }
0x1b6: {  	[tilespmem:$0x50] =	vst v5;
	v5 =	vadd.s32 v0, v34;
	v4 =	vadd.s32 v2, v4  }
0x1b7: {  	[tilespmem:$0x60] =	vst v5;
	v5 =	vadd.s32 v0, v35  }
0x1b8: {  	[tilespmem:$0x70] =	vst v5  }
0x1b9: {  	[tilespmem:s15], [sflag:$0x1] =	stream.indirect_vreg.gather [hbm4b:s1+s3], $0x80, v36, vm0, $0xb8;
	[tilespmem:$0x8080] =	vst v63  }
0x1ba: {  	_ = 	snop  }
0x1bb: {  	[tilespmem:s16], [sflag:$0x1] =	stream.indirect_vreg.gather [hbm4b:s1+s3], $0x80, v4, vm0, $0xb8;
	[tilespmem:$0x8080] =	vst v63  }
0x1bc: {  	v4 =	vld [tilespmem:$0x10];
	_ =	sdelay $0x4  }
0x1bd: {  	v5 =	vshll.u32 v4, $0x1  }
0x1be: {  	v4 =	vand.u32 $0x7, v4;
	v5 =	vand.u32 $0xFFFFFFF0, v5  }
0x1bf: {  	v4 =	vor.u32 v4, v5  }
0x1c0: {  	v5 =	vperm.xlane v4, v1;
	_ =	sdelay $0x1  }
0x1c1: {  	v4 =	vperm.xlane v4, v3;
	v5 =	vadd.s32 v2, v5;
	_ =	sdelay $0x1  }
0x1c2: {  	v4 =	vadd.s32 v2, v4;
	_ =	sdelay $0x2  }
0x1c3: {  	[tilespmem:s17], [sflag:$0x1] =	stream.indirect_vreg.gather [hbm4b:s1+s3], $0x80, v5, vm0, $0xb8;
	[tilespmem:$0x8080] =	vst v63  }
0x1c4: {  	_ = 	snop  }
0x1c5: {  	[tilespmem:s18], [sflag:$0x1] =	stream.indirect_vreg.gather [hbm4b:s1+s3], $0x80, v4, vm0, $0xb8;
	[tilespmem:$0x8080] =	vst v63  }
0x1c6: {  	v4 =	vld [tilespmem:$0x20];
	_ =	sdelay $0x4  }
0x1c7: {  	v5 =	vshll.u32 v4, $0x1  }
0x1c8: {  	v4 =	vand.u32 $0x7, v4;
	v5 =	vand.u32 $0xFFFFFFF0, v5  }
0x1c9: {  	v4 =	vor.u32 v4, v5  }
0x1ca: {  	v5 =	vperm.xlane v4, v1;
	_ =	sdelay $0x1  }
0x1cb: {  	v4 =	vperm.xlane v4, v3;
	v5 =	vadd.s32 v2, v5;
	_ =	sdelay $0x1  }
0x1cc: {  	v4 =	vadd.s32 v2, v4;
	_ =	sdelay $0x2  }
0x1cd: {  	[tilespmem:s19], [sflag:$0x1] =	stream.indirect_vreg.gather [hbm4b:s1+s3], $0x80, v5, vm0, $0xb8;
	[tilespmem:$0x8080] =	vst v63  }
0x1ce: {  	_ = 	snop  }
0x1cf: {  	[tilespmem:s20], [sflag:$0x1] =	stream.indirect_vreg.gather [hbm4b:s1+s3], $0x80, v4, vm0, $0xb8;
	[tilespmem:$0x8080] =	vst v63  }
0x1d0: {  	v4 =	vld [tilespmem:$0x30];
	_ =	sdelay $0x4  }
0x1d1: {  	v5 =	vshll.u32 v4, $0x1  }
0x1d2: {  	v4 =	vand.u32 $0x7, v4;
	v5 =	vand.u32 $0xFFFFFFF0, v5  }
0x1d3: {  	v4 =	vor.u32 v4, v5  }
0x1d4: {  	v5 =	vperm.xlane v4, v1;
	_ =	sdelay $0x1  }
0x1d5: {  	v4 =	vperm.xlane v4, v3;
	v5 =	vadd.s32 v2, v5;
	_ =	sdelay $0x1  }
0x1d6: {  	v4 =	vadd.s32 v2, v4;
	_ =	sdelay $0x2  }
0x1d7: {  	[tilespmem:s21], [sflag:$0x1] =	stream.indirect_vreg.gather [hbm4b:s1+s3], $0x80, v5, vm0, $0xb8;
	[tilespmem:$0x8080] =	vst v63  }
0x1d8: {  	_ = 	snop  }
0x1d9: {  	[tilespmem:s22], [sflag:$0x1] =	stream.indirect_vreg.gather [hbm4b:s1+s3], $0x80, v4, vm0, $0xb8;
	[tilespmem:$0x8080] =	vst v63  }
0x1da: {  	v4 =	vld [tilespmem:$0x40];
	_ =	sdelay $0x4  }
0x1db: {  	v5 =	vshll.u32 v4, $0x1  }
0x1dc: {  	v4 =	vand.u32 $0x7, v4;
	v5 =	vand.u32 $0xFFFFFFF0, v5  }
0x1dd: {  	v4 =	vor.u32 v4, v5  }
0x1de: {  	v5 =	vperm.xlane v4, v1;
	_ =	sdelay $0x1  }
0x1df: {  	v4 =	vperm.xlane v4, v3;
	v5 =	vadd.s32 v2, v5;
	_ =	sdelay $0x1  }
0x1e0: {  	v4 =	vadd.s32 v2, v4;
	_ =	sdelay $0x2  }
0x1e1: {  	[tilespmem:s23], [sflag:$0x1] =	stream.indirect_vreg.gather [hbm4b:s1+s3], $0x80, v5, vm0, $0xb8;
	[tilespmem:$0x8080] =	vst v63  }
0x1e2: {  	_ = 	snop  }
0x1e3: {  	[tilespmem:s24], [sflag:$0x1] =	stream.indirect_vreg.gather [hbm4b:s1+s3], $0x80, v4, vm0, $0xb8;
	[tilespmem:$0x8080] =	vst v63  }
0x1e4: {  	v4 =	vld [tilespmem:$0x50];
	_ =	sdelay $0x4  }
0x1e5: {  	v5 =	vshll.u32 v4, $0x1  }
0x1e6: {  	v4 =	vand.u32 $0x7, v4;
	v5 =	vand.u32 $0xFFFFFFF0, v5  }
0x1e7: {  	v4 =	vor.u32 v4, v5  }
0x1e8: {  	v5 =	vperm.xlane v4, v1;
	_ =	sdelay $0x1  }
0x1e9: {  	v4 =	vperm.xlane v4, v3;
	v5 =	vadd.s32 v2, v5;
	_ =	sdelay $0x1  }
0x1ea: {  	v4 =	vadd.s32 v2, v4;
	_ =	sdelay $0x2  }
0x1eb: {  	[tilespmem:s25], [sflag:$0x1] =	stream.indirect_vreg.gather [hbm4b:s1+s3], $0x80, v5, vm0, $0xb8;
	[tilespmem:$0x8080] =	vst v63  }
0x1ec: {  	_ = 	snop  }
0x1ed: {  	[tilespmem:s26], [sflag:$0x1] =	stream.indirect_vreg.gather [hbm4b:s1+s3], $0x80, v4, vm0, $0xb8;
	[tilespmem:$0x8080] =	vst v63  }
0x1ee: {  	v4 =	vld [tilespmem:$0x60];
	_ =	sdelay $0x4  }
0x1ef: {  	v5 =	vshll.u32 v4, $0x1  }
0x1f0: {  	v4 =	vand.u32 $0x7, v4;
	v5 =	vand.u32 $0xFFFFFFF0, v5  }
0x1f1: {  	v4 =	vor.u32 v4, v5  }
0x1f2: {  	v5 =	vperm.xlane v4, v1;
	_ =	sdelay $0x1  }
0x1f3: {  	v4 =	vperm.xlane v4, v3;
	v5 =	vadd.s32 v2, v5;
	_ =	sdelay $0x1  }
0x1f4: {  	v4 =	vadd.s32 v2, v4;
	_ =	sdelay $0x2  }
0x1f5: {  	[tilespmem:s28], [sflag:$0x1] =	stream.indirect_vreg.gather [hbm4b:s1+s3], $0x80, v5, vm0, $0xb8;
	[tilespmem:$0x8080] =	vst v63  }
0x1f6: {  	_ = 	snop  }
0x1f7: {  	[tilespmem:s29], [sflag:$0x1] =	stream.indirect_vreg.gather [hbm4b:s1+s3], $0x80, v4, vm0, $0xb8;
	[tilespmem:$0x8080] =	vst v63  }
0x1f8: {  	v4 =	vld [tilespmem:$0x70];
	_ =	sdelay $0x4  }
0x1f9: {  	v5 =	vshll.u32 v4, $0x1  }
0x1fa: {  	v4 =	vand.u32 $0x7, v4;
	v5 =	vand.u32 $0xFFFFFFF0, v5  }
0x1fb: {  	v4 =	vor.u32 v4, v5  }
0x1fc: {  	v5 =	vperm.xlane v4, v1;
	_ =	sdelay $0x1  }
0x1fd: {  	v4 =	vperm.xlane v4, v3;
	v5 =	vadd.s32 v2, v5;
	_ =	sdelay $0x1  }
0x1fe: {  	v4 =	vadd.s32 v2, v4;
	_ =	sdelay $0x2  }
0x1ff: {  	[tilespmem:s30], [sflag:$0x1] =	stream.indirect_vreg.gather [hbm4b:s1+s3], $0x80, v5, vm0, $0xb8;
	[tilespmem:$0x8080] =	vst v63  }
0x200: {  	_ = 	snop  }
0x201: {  	[tilespmem:s31], [sflag:$0x1] =	stream.indirect_vreg.gather [hbm4b:s1+s3], $0x80, v4, vm0, $0xb8;
	[tilespmem:$0x8080] =	vst v63  }
0x202: {  	_ =	swait.ge [sflag:s0], $0x8000  }
0x203: {  	[sflag:s0] =	ssyncset.done $0x0  }
0x204: {  	[sflag:s0] =	ssyncadd.s32 $0xFFFF8000  }
0x205: {  	[hbm4b:s6+s3] =	stream.linear.scatter [tilespmem:s15], [sflag:$0x2], $0x8000, $0x38;
	[tilespmem:$0x8080] =	vst v63  }
0x206: {  	_ =	swait.ge [sflag:s14], $0x8000  }
0x207: {  	[sflag:s14] =	ssyncset.done $0x0  }
0x208: {  	[sflag:s14] =	ssyncadd.s32 $0xFFFF8000  }
0x209: {  	[tilespmem:s3], [sflag:$0x2] =	stream.linear.gather [hbm4b:s7+s3], $0x80, $0x38;
	[tilespmem:$0x8080] =	vst v63  }
0x20a: {  	_ =	swait.ge [sflag:s14], $0x80  }
0x20b: {  	[sflag:s14] =	ssyncset.done $0x0  }
0x20c: {  	[sflag:s14] =	ssyncadd.s32 $0xFFFFFF80  }
0x20d: {  	v4 =	vld [tilespmem:$0x0];
	_ =	sdelay $0x2  }
0x20e: {  	v5 =	vld [tilespmem:$0x10]  }
0x20f: {  	v37 =	vld [tilespmem:$0x20]  }
0x210: {  	v39 =	vld [tilespmem:$0x30];
	v38 =	vadd.s32 v0, v4  }
0x211: {  	v40 =	vld [tilespmem:$0x40];
	v41 =	vshll.u32 v38, $0x1  }
0x212: {  	v42 =	vld [tilespmem:$0x50];
	v4 =	vand.u32 $0x7, v4;
	v10 =	vand.u32 $0xFFFFFFF0, v41  }
0x213: {  	v43 =	vld [tilespmem:$0x60];
	v5 =	vadd.s32 v0, v5;
	[tilespmem:$0x0] =	vst v38;
	v4 =	vor.u32 v4, v10  }
0x214: {  	v44 =	vld [tilespmem:$0x70];
	[tilespmem:$0x10] =	vst v5;
	v5 =	vadd.s32 v0, v37;
	v10 =	vperm.xlane v4, v1  }
0x215: {  	[tilespmem:$0x20] =	vst v5;
	v5 =	vadd.s32 v0, v39  }
0x216: {  	[tilespmem:$0x30] =	vst v5;
	v5 =	vadd.s32 v0, v40;
	v4 =	vperm.xlane v4, v3;
	v45 =	vadd.s32 v2, v10  }
0x217: {  	[tilespmem:$0x40] =	vst v5;
	v5 =	vadd.s32 v0, v42  }
0x218: {  	[tilespmem:$0x50] =	vst v5;
	v5 =	vadd.s32 v0, v43;
	v4 =	vadd.s32 v2, v4  }
0x219: {  	[tilespmem:$0x60] =	vst v5;
	v5 =	vadd.s32 v0, v44  }
0x21a: {  	[tilespmem:$0x70] =	vst v5  }
0x21b: {  	[tilespmem:s15], [sflag:$0x1] =	stream.indirect_vreg.gather [hbm4b:s1+s3], $0x80, v45, vm0, $0xb8;
	[tilespmem:$0x8080] =	vst v63  }
0x21c: {  	_ = 	snop  }
0x21d: {  	[tilespmem:s16], [sflag:$0x1] =	stream.indirect_vreg.gather [hbm4b:s1+s3], $0x80, v4, vm0, $0xb8;
	[tilespmem:$0x8080] =	vst v63  }
0x21e: {  	v4 =	vld [tilespmem:$0x10];
	_ =	sdelay $0x4  }
0x21f: {  	v5 =	vshll.u32 v4, $0x1  }
0x220: {  	v4 =	vand.u32 $0x7, v4;
	v5 =	vand.u32 $0xFFFFFFF0, v5  }
0x221: {  	v4 =	vor.u32 v4, v5  }
0x222: {  	v5 =	vperm.xlane v4, v1;
	_ =	sdelay $0x1  }
0x223: {  	v4 =	vperm.xlane v4, v3;
	v5 =	vadd.s32 v2, v5;
	_ =	sdelay $0x1  }
0x224: {  	v4 =	vadd.s32 v2, v4;
	_ =	sdelay $0x2  }
0x225: {  	[tilespmem:s17], [sflag:$0x1] =	stream.indirect_vreg.gather [hbm4b:s1+s3], $0x80, v5, vm0, $0xb8;
	[tilespmem:$0x8080] =	vst v63  }
0x226: {  	_ = 	snop  }
0x227: {  	[tilespmem:s18], [sflag:$0x1] =	stream.indirect_vreg.gather [hbm4b:s1+s3], $0x80, v4, vm0, $0xb8;
	[tilespmem:$0x8080] =	vst v63  }
0x228: {  	v4 =	vld [tilespmem:$0x20];
	_ =	sdelay $0x4  }
0x229: {  	v5 =	vshll.u32 v4, $0x1  }
0x22a: {  	v4 =	vand.u32 $0x7, v4;
	v5 =	vand.u32 $0xFFFFFFF0, v5  }
0x22b: {  	v4 =	vor.u32 v4, v5  }
0x22c: {  	v5 =	vperm.xlane v4, v1;
	_ =	sdelay $0x1  }
0x22d: {  	v4 =	vperm.xlane v4, v3;
	v5 =	vadd.s32 v2, v5;
	_ =	sdelay $0x1  }
0x22e: {  	v4 =	vadd.s32 v2, v4;
	_ =	sdelay $0x2  }
0x22f: {  	[tilespmem:s19], [sflag:$0x1] =	stream.indirect_vreg.gather [hbm4b:s1+s3], $0x80, v5, vm0, $0xb8;
	[tilespmem:$0x8080] =	vst v63  }
0x230: {  	_ = 	snop  }
0x231: {  	[tilespmem:s20], [sflag:$0x1] =	stream.indirect_vreg.gather [hbm4b:s1+s3], $0x80, v4, vm0, $0xb8;
	[tilespmem:$0x8080] =	vst v63  }
0x232: {  	v4 =	vld [tilespmem:$0x30];
	_ =	sdelay $0x4  }
0x233: {  	v5 =	vshll.u32 v4, $0x1  }
0x234: {  	v4 =	vand.u32 $0x7, v4;
	v5 =	vand.u32 $0xFFFFFFF0, v5  }
0x235: {  	v4 =	vor.u32 v4, v5  }
0x236: {  	v5 =	vperm.xlane v4, v1;
	_ =	sdelay $0x1  }
0x237: {  	v4 =	vperm.xlane v4, v3;
	v5 =	vadd.s32 v2, v5;
	_ =	sdelay $0x1  }
0x238: {  	v4 =	vadd.s32 v2, v4;
	_ =	sdelay $0x2  }
0x239: {  	[tilespmem:s21], [sflag:$0x1] =	stream.indirect_vreg.gather [hbm4b:s1+s3], $0x80, v5, vm0, $0xb8;
	[tilespmem:$0x8080] =	vst v63  }
0x23a: {  	_ = 	snop  }
0x23b: {  	[tilespmem:s22], [sflag:$0x1] =	stream.indirect_vreg.gather [hbm4b:s1+s3], $0x80, v4, vm0, $0xb8;
	[tilespmem:$0x8080] =	vst v63  }
0x23c: {  	v4 =	vld [tilespmem:$0x40];
	_ =	sdelay $0x4  }
0x23d: {  	v5 =	vshll.u32 v4, $0x1  }
0x23e: {  	v4 =	vand.u32 $0x7, v4;
	v5 =	vand.u32 $0xFFFFFFF0, v5  }
0x23f: {  	v4 =	vor.u32 v4, v5  }
0x240: {  	v5 =	vperm.xlane v4, v1;
	_ =	sdelay $0x1  }
0x241: {  	v4 =	vperm.xlane v4, v3;
	v5 =	vadd.s32 v2, v5;
	_ =	sdelay $0x1  }
0x242: {  	v4 =	vadd.s32 v2, v4;
	_ =	sdelay $0x2  }
0x243: {  	[tilespmem:s23], [sflag:$0x1] =	stream.indirect_vreg.gather [hbm4b:s1+s3], $0x80, v5, vm0, $0xb8;
	[tilespmem:$0x8080] =	vst v63  }
0x244: {  	_ = 	snop  }
0x245: {  	[tilespmem:s24], [sflag:$0x1] =	stream.indirect_vreg.gather [hbm4b:s1+s3], $0x80, v4, vm0, $0xb8;
	[tilespmem:$0x8080] =	vst v63  }
0x246: {  	v4 =	vld [tilespmem:$0x50];
	_ =	sdelay $0x4  }
0x247: {  	v5 =	vshll.u32 v4, $0x1  }
0x248: {  	v4 =	vand.u32 $0x7, v4;
	v5 =	vand.u32 $0xFFFFFFF0, v5  }
0x249: {  	v4 =	vor.u32 v4, v5  }
0x24a: {  	v5 =	vperm.xlane v4, v1;
	_ =	sdelay $0x1  }
0x24b: {  	v4 =	vperm.xlane v4, v3;
	v5 =	vadd.s32 v2, v5;
	_ =	sdelay $0x1  }
0x24c: {  	v4 =	vadd.s32 v2, v4;
	_ =	sdelay $0x2  }
0x24d: {  	[tilespmem:s25], [sflag:$0x1] =	stream.indirect_vreg.gather [hbm4b:s1+s3], $0x80, v5, vm0, $0xb8;
	[tilespmem:$0x8080] =	vst v63  }
0x24e: {  	_ = 	snop  }
0x24f: {  	[tilespmem:s26], [sflag:$0x1] =	stream.indirect_vreg.gather [hbm4b:s1+s3], $0x80, v4, vm0, $0xb8;
	[tilespmem:$0x8080] =	vst v63  }
0x250: {  	v4 =	vld [tilespmem:$0x60];
	_ =	sdelay $0x4  }
0x251: {  	v5 =	vshll.u32 v4, $0x1  }
0x252: {  	v4 =	vand.u32 $0x7, v4;
	v5 =	vand.u32 $0xFFFFFFF0, v5  }
0x253: {  	v4 =	vor.u32 v4, v5  }
0x254: {  	v5 =	vperm.xlane v4, v1;
	_ =	sdelay $0x1  }
0x255: {  	v4 =	vperm.xlane v4, v3;
	v5 =	vadd.s32 v2, v5;
	_ =	sdelay $0x1  }
0x256: {  	v4 =	vadd.s32 v2, v4;
	_ =	sdelay $0x2  }
0x257: {  	[tilespmem:s28], [sflag:$0x1] =	stream.indirect_vreg.gather [hbm4b:s1+s3], $0x80, v5, vm0, $0xb8;
	[tilespmem:$0x8080] =	vst v63  }
0x258: {  	_ = 	snop  }
0x259: {  	[tilespmem:s29], [sflag:$0x1] =	stream.indirect_vreg.gather [hbm4b:s1+s3], $0x80, v4, vm0, $0xb8;
	[tilespmem:$0x8080] =	vst v63  }
0x25a: {  	v4 =	vld [tilespmem:$0x70];
	_ =	sdelay $0x4  }
0x25b: {  	v5 =	vshll.u32 v4, $0x1  }
0x25c: {  	v4 =	vand.u32 $0x7, v4;
	v5 =	vand.u32 $0xFFFFFFF0, v5  }
0x25d: {  	v4 =	vor.u32 v4, v5  }
0x25e: {  	v5 =	vperm.xlane v4, v1;
	_ =	sdelay $0x1  }
0x25f: {  	v4 =	vperm.xlane v4, v3;
	v5 =	vadd.s32 v2, v5;
	_ =	sdelay $0x1  }
0x260: {  	v4 =	vadd.s32 v2, v4;
	_ =	sdelay $0x2  }
0x261: {  	[tilespmem:s30], [sflag:$0x1] =	stream.indirect_vreg.gather [hbm4b:s1+s3], $0x80, v5, vm0, $0xb8;
	[tilespmem:$0x8080] =	vst v63  }
0x262: {  	_ = 	snop  }
0x263: {  	[tilespmem:s31], [sflag:$0x1] =	stream.indirect_vreg.gather [hbm4b:s1+s3], $0x80, v4, vm0, $0xb8;
	[tilespmem:$0x8080] =	vst v63  }
0x264: {  	_ =	swait.ge [sflag:s0], $0x8000  }
0x265: {  	[sflag:s0] =	ssyncset.done $0x0  }
0x266: {  	[sflag:s0] =	ssyncadd.s32 $0xFFFF8000  }
0x267: {  	[hbm4b:s8+s3] =	stream.linear.scatter [tilespmem:s15], [sflag:$0x2], $0x8000, $0x38;
	[tilespmem:$0x8080] =	vst v63  }
0x268: {  	_ =	swait.ge [sflag:s14], $0x8000  }
0x269: {  	[sflag:s14] =	ssyncset.done $0x0  }
0x26a: {  	[sflag:s14] =	ssyncadd.s32 $0xFFFF8000  }
0x26b: {  	[tilespmem:s3], [sflag:$0x2] =	stream.linear.gather [hbm4b:s9+s3], $0x80, $0x38;
	[tilespmem:$0x8080] =	vst v63  }
0x26c: {  	_ =	swait.ge [sflag:s14], $0x80  }
0x26d: {  	[sflag:s14] =	ssyncset.done $0x0  }
0x26e: {  	[sflag:s14] =	ssyncadd.s32 $0xFFFFFF80  }
0x26f: {  	v4 =	vld [tilespmem:$0x0];
	_ =	sdelay $0x2  }
0x270: {  	v5 =	vld [tilespmem:$0x10]  }
0x271: {  	v46 =	vld [tilespmem:$0x20]  }
0x272: {  	v48 =	vld [tilespmem:$0x30];
	v47 =	vadd.s32 v0, v4  }
0x273: {  	v49 =	vld [tilespmem:$0x40];
	v50 =	vshll.u32 v47, $0x1  }
0x274: {  	v51 =	vld [tilespmem:$0x50];
	v4 =	vand.u32 $0x7, v4;
	v10 =	vand.u32 $0xFFFFFFF0, v50  }
0x275: {  	v52 =	vld [tilespmem:$0x60];
	v5 =	vadd.s32 v0, v5;
	[tilespmem:$0x0] =	vst v47;
	v4 =	vor.u32 v4, v10  }
0x276: {  	v53 =	vld [tilespmem:$0x70];
	[tilespmem:$0x10] =	vst v5;
	v5 =	vadd.s32 v0, v46;
	v10 =	vperm.xlane v4, v1  }
0x277: {  	[tilespmem:$0x20] =	vst v5;
	v5 =	vadd.s32 v0, v48  }
0x278: {  	[tilespmem:$0x30] =	vst v5;
	v5 =	vadd.s32 v0, v49;
	v4 =	vperm.xlane v4, v3;
	v54 =	vadd.s32 v2, v10  }
0x279: {  	[tilespmem:$0x40] =	vst v5;
	v5 =	vadd.s32 v0, v51  }
0x27a: {  	[tilespmem:$0x50] =	vst v5;
	v5 =	vadd.s32 v0, v52;
	v4 =	vadd.s32 v2, v4  }
0x27b: {  	[tilespmem:$0x60] =	vst v5;
	v5 =	vadd.s32 v0, v53  }
0x27c: {  	[tilespmem:$0x70] =	vst v5  }
0x27d: {  	[tilespmem:s15], [sflag:$0x1] =	stream.indirect_vreg.gather [hbm4b:s1+s3], $0x80, v54, vm0, $0xb8;
	[tilespmem:$0x8080] =	vst v63  }
0x27e: {  	_ = 	snop  }
0x27f: {  	[tilespmem:s16], [sflag:$0x1] =	stream.indirect_vreg.gather [hbm4b:s1+s3], $0x80, v4, vm0, $0xb8;
	[tilespmem:$0x8080] =	vst v63  }
0x280: {  	v4 =	vld [tilespmem:$0x10];
	_ =	sdelay $0x4  }
0x281: {  	v5 =	vshll.u32 v4, $0x1  }
0x282: {  	v4 =	vand.u32 $0x7, v4;
	v5 =	vand.u32 $0xFFFFFFF0, v5  }
0x283: {  	v4 =	vor.u32 v4, v5  }
0x284: {  	v5 =	vperm.xlane v4, v1;
	_ =	sdelay $0x1  }
0x285: {  	v4 =	vperm.xlane v4, v3;
	v5 =	vadd.s32 v2, v5;
	_ =	sdelay $0x1  }
0x286: {  	v4 =	vadd.s32 v2, v4;
	_ =	sdelay $0x2  }
0x287: {  	[tilespmem:s17], [sflag:$0x1] =	stream.indirect_vreg.gather [hbm4b:s1+s3], $0x80, v5, vm0, $0xb8;
	[tilespmem:$0x8080] =	vst v63  }
0x288: {  	_ = 	snop  }
0x289: {  	[tilespmem:s18], [sflag:$0x1] =	stream.indirect_vreg.gather [hbm4b:s1+s3], $0x80, v4, vm0, $0xb8;
	[tilespmem:$0x8080] =	vst v63  }
0x28a: {  	v4 =	vld [tilespmem:$0x20];
	_ =	sdelay $0x4  }
0x28b: {  	v5 =	vshll.u32 v4, $0x1  }
0x28c: {  	v4 =	vand.u32 $0x7, v4;
	v5 =	vand.u32 $0xFFFFFFF0, v5  }
0x28d: {  	v4 =	vor.u32 v4, v5  }
0x28e: {  	v5 =	vperm.xlane v4, v1;
	_ =	sdelay $0x1  }
0x28f: {  	v4 =	vperm.xlane v4, v3;
	v5 =	vadd.s32 v2, v5;
	_ =	sdelay $0x1  }
0x290: {  	v4 =	vadd.s32 v2, v4;
	_ =	sdelay $0x2  }
0x291: {  	[tilespmem:s19], [sflag:$0x1] =	stream.indirect_vreg.gather [hbm4b:s1+s3], $0x80, v5, vm0, $0xb8;
	[tilespmem:$0x8080] =	vst v63  }
0x292: {  	_ = 	snop  }
0x293: {  	[tilespmem:s20], [sflag:$0x1] =	stream.indirect_vreg.gather [hbm4b:s1+s3], $0x80, v4, vm0, $0xb8;
	[tilespmem:$0x8080] =	vst v63  }
0x294: {  	v4 =	vld [tilespmem:$0x30];
	_ =	sdelay $0x4  }
0x295: {  	v5 =	vshll.u32 v4, $0x1  }
0x296: {  	v4 =	vand.u32 $0x7, v4;
	v5 =	vand.u32 $0xFFFFFFF0, v5  }
0x297: {  	v4 =	vor.u32 v4, v5  }
0x298: {  	v5 =	vperm.xlane v4, v1;
	_ =	sdelay $0x1  }
0x299: {  	v4 =	vperm.xlane v4, v3;
	v5 =	vadd.s32 v2, v5;
	_ =	sdelay $0x1  }
0x29a: {  	v4 =	vadd.s32 v2, v4;
	_ =	sdelay $0x2  }
0x29b: {  	[tilespmem:s21], [sflag:$0x1] =	stream.indirect_vreg.gather [hbm4b:s1+s3], $0x80, v5, vm0, $0xb8;
	[tilespmem:$0x8080] =	vst v63  }
0x29c: {  	_ = 	snop  }
0x29d: {  	[tilespmem:s22], [sflag:$0x1] =	stream.indirect_vreg.gather [hbm4b:s1+s3], $0x80, v4, vm0, $0xb8;
	[tilespmem:$0x8080] =	vst v63  }
0x29e: {  	v4 =	vld [tilespmem:$0x40];
	_ =	sdelay $0x4  }
0x29f: {  	v5 =	vshll.u32 v4, $0x1  }
0x2a0: {  	v4 =	vand.u32 $0x7, v4;
	v5 =	vand.u32 $0xFFFFFFF0, v5  }
0x2a1: {  	v4 =	vor.u32 v4, v5  }
0x2a2: {  	v5 =	vperm.xlane v4, v1;
	_ =	sdelay $0x1  }
0x2a3: {  	v4 =	vperm.xlane v4, v3;
	v5 =	vadd.s32 v2, v5;
	_ =	sdelay $0x1  }
0x2a4: {  	v4 =	vadd.s32 v2, v4;
	_ =	sdelay $0x2  }
0x2a5: {  	[tilespmem:s23], [sflag:$0x1] =	stream.indirect_vreg.gather [hbm4b:s1+s3], $0x80, v5, vm0, $0xb8;
	[tilespmem:$0x8080] =	vst v63  }
0x2a6: {  	_ = 	snop  }
0x2a7: {  	[tilespmem:s24], [sflag:$0x1] =	stream.indirect_vreg.gather [hbm4b:s1+s3], $0x80, v4, vm0, $0xb8;
	[tilespmem:$0x8080] =	vst v63  }
0x2a8: {  	v4 =	vld [tilespmem:$0x50];
	_ =	sdelay $0x4  }
0x2a9: {  	v5 =	vshll.u32 v4, $0x1  }
0x2aa: {  	v4 =	vand.u32 $0x7, v4;
	v5 =	vand.u32 $0xFFFFFFF0, v5  }
0x2ab: {  	v4 =	vor.u32 v4, v5  }
0x2ac: {  	v5 =	vperm.xlane v4, v1;
	_ =	sdelay $0x1  }
0x2ad: {  	v4 =	vperm.xlane v4, v3;
	v5 =	vadd.s32 v2, v5;
	_ =	sdelay $0x1  }
0x2ae: {  	v4 =	vadd.s32 v2, v4;
	_ =	sdelay $0x2  }
0x2af: {  	[tilespmem:s25], [sflag:$0x1] =	stream.indirect_vreg.gather [hbm4b:s1+s3], $0x80, v5, vm0, $0xb8;
	[tilespmem:$0x8080] =	vst v63  }
0x2b0: {  	_ = 	snop  }
0x2b1: {  	[tilespmem:s26], [sflag:$0x1] =	stream.indirect_vreg.gather [hbm4b:s1+s3], $0x80, v4, vm0, $0xb8;
	[tilespmem:$0x8080] =	vst v63  }
0x2b2: {  	v4 =	vld [tilespmem:$0x60];
	_ =	sdelay $0x4  }
0x2b3: {  	v5 =	vshll.u32 v4, $0x1  }
0x2b4: {  	v4 =	vand.u32 $0x7, v4;
	v5 =	vand.u32 $0xFFFFFFF0, v5  }
0x2b5: {  	v4 =	vor.u32 v4, v5  }
0x2b6: {  	v5 =	vperm.xlane v4, v1;
	_ =	sdelay $0x1  }
0x2b7: {  	v4 =	vperm.xlane v4, v3;
	v5 =	vadd.s32 v2, v5;
	_ =	sdelay $0x1  }
0x2b8: {  	v4 =	vadd.s32 v2, v4;
	_ =	sdelay $0x2  }
0x2b9: {  	[tilespmem:s28], [sflag:$0x1] =	stream.indirect_vreg.gather [hbm4b:s1+s3], $0x80, v5, vm0, $0xb8;
	[tilespmem:$0x8080] =	vst v63  }
0x2ba: {  	_ = 	snop  }
0x2bb: {  	[tilespmem:s29], [sflag:$0x1] =	stream.indirect_vreg.gather [hbm4b:s1+s3], $0x80, v4, vm0, $0xb8;
	[tilespmem:$0x8080] =	vst v63  }
0x2bc: {  	v4 =	vld [tilespmem:$0x70];
	_ =	sdelay $0x4  }
0x2bd: {  	v5 =	vshll.u32 v4, $0x1  }
0x2be: {  	v4 =	vand.u32 $0x7, v4;
	v5 =	vand.u32 $0xFFFFFFF0, v5  }
0x2bf: {  	v4 =	vor.u32 v4, v5  }
0x2c0: {  	v5 =	vperm.xlane v4, v1;
	_ =	sdelay $0x1  }
0x2c1: {  	v4 =	vperm.xlane v4, v3;
	v5 =	vadd.s32 v2, v5;
	_ =	sdelay $0x1  }
0x2c2: {  	v4 =	vadd.s32 v2, v4;
	_ =	sdelay $0x2  }
0x2c3: {  	[tilespmem:s30], [sflag:$0x1] =	stream.indirect_vreg.gather [hbm4b:s1+s3], $0x80, v5, vm0, $0xb8;
	[tilespmem:$0x8080] =	vst v63  }
0x2c4: {  	_ = 	snop  }
0x2c5: {  	[tilespmem:s31], [sflag:$0x1] =	stream.indirect_vreg.gather [hbm4b:s1+s3], $0x80, v4, vm0, $0xb8;
	[tilespmem:$0x8080] =	vst v63  }
0x2c6: {  	_ =	swait.ge [sflag:s0], $0x8000  }
0x2c7: {  	[sflag:s0] =	ssyncset.done $0x0  }
0x2c8: {  	[sflag:s0] =	ssyncadd.s32 $0xFFFF8000  }
0x2c9: {  	[hbm4b:s10+s3] =	stream.linear.scatter [tilespmem:s15], [sflag:$0x2], $0x8000, $0x38;
	[tilespmem:$0x8080] =	vst v63  }
0x2ca: {  	_ =	swait.ge [sflag:s14], $0x8000  }
0x2cb: {  	[sflag:s14] =	ssyncset.done $0x0  }
0x2cc: {  	[sflag:s14] =	ssyncadd.s32 $0xFFFF8000  }
0x2cd: {  	[tilespmem:s3], [sflag:$0x2] =	stream.linear.gather [hbm4b:s11+s3], $0x80, $0x38;
	[tilespmem:$0x8080] =	vst v63  }
0x2ce: {  	_ =	swait.ge [sflag:s14], $0x80  }
0x2cf: {  	[sflag:s14] =	ssyncset.done $0x0  }
0x2d0: {  	[sflag:s14] =	ssyncadd.s32 $0xFFFFFF80  }
0x2d1: {  	v4 =	vld [tilespmem:$0x0];
	_ =	sdelay $0x2  }
0x2d2: {  	v5 =	vld [tilespmem:$0x10]  }
0x2d3: {  	v55 =	vld [tilespmem:$0x20]  }
0x2d4: {  	v57 =	vld [tilespmem:$0x30];
	v56 =	vadd.s32 v0, v4  }
0x2d5: {  	v58 =	vld [tilespmem:$0x40];
	v59 =	vshll.u32 v56, $0x1  }
0x2d6: {  	v60 =	vld [tilespmem:$0x50];
	v4 =	vand.u32 $0x7, v4;
	v10 =	vand.u32 $0xFFFFFFF0, v59  }
0x2d7: {  	v61 =	vld [tilespmem:$0x60];
	v5 =	vadd.s32 v0, v5;
	[tilespmem:$0x0] =	vst v56;
	v4 =	vor.u32 v4, v10  }
0x2d8: {  	v62 =	vld [tilespmem:$0x70];
	[tilespmem:$0x10] =	vst v5;
	v5 =	vadd.s32 v0, v55;
	v10 =	vperm.xlane v4, v1  }
0x2d9: {  	[tilespmem:$0x20] =	vst v5;
	v5 =	vadd.s32 v0, v57  }
0x2da: {  	[tilespmem:$0x30] =	vst v5;
	v5 =	vadd.s32 v0, v58;
	v4 =	vperm.xlane v4, v3;
	v63 =	vadd.s32 v2, v10  }
0x2db: {  	[tilespmem:$0x40] =	vst v5;
	v5 =	vadd.s32 v0, v60  }
0x2dc: {  	[tilespmem:$0x50] =	vst v5;
	v5 =	vadd.s32 v0, v61;
	v4 =	vadd.s32 v2, v4  }
0x2dd: {  	[tilespmem:$0x60] =	vst v5;
	v5 =	vadd.s32 v0, v62  }
0x2de: {  	[tilespmem:$0x70] =	vst v5  }
0x2df: {  	[tilespmem:s15], [sflag:$0x1] =	stream.indirect_vreg.gather [hbm4b:s1+s3], $0x80, v63, vm0, $0xb8;
	[tilespmem:$0x8080] =	vst v63  }
0x2e0: {  	_ = 	snop  }
0x2e1: {  	[tilespmem:s16], [sflag:$0x1] =	stream.indirect_vreg.gather [hbm4b:s1+s3], $0x80, v4, vm0, $0xb8;
	[tilespmem:$0x8080] =	vst v63  }
0x2e2: {  	v4 =	vld [tilespmem:$0x10];
	_ =	sdelay $0x4  }
0x2e3: {  	v5 =	vshll.u32 v4, $0x1  }
0x2e4: {  	v4 =	vand.u32 $0x7, v4;
	v5 =	vand.u32 $0xFFFFFFF0, v5  }
0x2e5: {  	v4 =	vor.u32 v4, v5  }
0x2e6: {  	v5 =	vperm.xlane v4, v1;
	_ =	sdelay $0x1  }
0x2e7: {  	v4 =	vperm.xlane v4, v3;
	v5 =	vadd.s32 v2, v5;
	_ =	sdelay $0x1  }
0x2e8: {  	v4 =	vadd.s32 v2, v4;
	_ =	sdelay $0x2  }
0x2e9: {  	[tilespmem:s17], [sflag:$0x1] =	stream.indirect_vreg.gather [hbm4b:s1+s3], $0x80, v5, vm0, $0xb8;
	[tilespmem:$0x8080] =	vst v63  }
0x2ea: {  	_ = 	snop  }
0x2eb: {  	[tilespmem:s18], [sflag:$0x1] =	stream.indirect_vreg.gather [hbm4b:s1+s3], $0x80, v4, vm0, $0xb8;
	[tilespmem:$0x8080] =	vst v63  }
0x2ec: {  	v4 =	vld [tilespmem:$0x20];
	_ =	sdelay $0x4  }
0x2ed: {  	v5 =	vshll.u32 v4, $0x1  }
0x2ee: {  	v4 =	vand.u32 $0x7, v4;
	v5 =	vand.u32 $0xFFFFFFF0, v5  }
0x2ef: {  	v4 =	vor.u32 v4, v5  }
0x2f0: {  	v5 =	vperm.xlane v4, v1;
	_ =	sdelay $0x1  }
0x2f1: {  	v4 =	vperm.xlane v4, v3;
	v5 =	vadd.s32 v2, v5;
	_ =	sdelay $0x1  }
0x2f2: {  	v4 =	vadd.s32 v2, v4;
	_ =	sdelay $0x2  }
0x2f3: {  	[tilespmem:s19], [sflag:$0x1] =	stream.indirect_vreg.gather [hbm4b:s1+s3], $0x80, v5, vm0, $0xb8;
	[tilespmem:$0x8080] =	vst v63  }
0x2f4: {  	_ = 	snop  }
0x2f5: {  	[tilespmem:s20], [sflag:$0x1] =	stream.indirect_vreg.gather [hbm4b:s1+s3], $0x80, v4, vm0, $0xb8;
	[tilespmem:$0x8080] =	vst v63  }
0x2f6: {  	v4 =	vld [tilespmem:$0x30];
	_ =	sdelay $0x4  }
0x2f7: {  	v5 =	vshll.u32 v4, $0x1  }
0x2f8: {  	v4 =	vand.u32 $0x7, v4;
	v5 =	vand.u32 $0xFFFFFFF0, v5  }
0x2f9: {  	v4 =	vor.u32 v4, v5  }
0x2fa: {  	v5 =	vperm.xlane v4, v1;
	_ =	sdelay $0x1  }
0x2fb: {  	v4 =	vperm.xlane v4, v3;
	v5 =	vadd.s32 v2, v5;
	_ =	sdelay $0x1  }
0x2fc: {  	v4 =	vadd.s32 v2, v4;
	_ =	sdelay $0x2  }
0x2fd: {  	[tilespmem:s21], [sflag:$0x1] =	stream.indirect_vreg.gather [hbm4b:s1+s3], $0x80, v5, vm0, $0xb8;
	[tilespmem:$0x8080] =	vst v63  }
0x2fe: {  	_ = 	snop  }
0x2ff: {  	[tilespmem:s22], [sflag:$0x1] =	stream.indirect_vreg.gather [hbm4b:s1+s3], $0x80, v4, vm0, $0xb8;
	[tilespmem:$0x8080] =	vst v63  }
0x300: {  	v4 =	vld [tilespmem:$0x40];
	_ =	sdelay $0x4  }
0x301: {  	v5 =	vshll.u32 v4, $0x1  }
0x302: {  	v4 =	vand.u32 $0x7, v4;
	v5 =	vand.u32 $0xFFFFFFF0, v5  }
0x303: {  	v4 =	vor.u32 v4, v5  }
0x304: {  	v5 =	vperm.xlane v4, v1;
	_ =	sdelay $0x1  }
0x305: {  	v4 =	vperm.xlane v4, v3;
	v5 =	vadd.s32 v2, v5;
	_ =	sdelay $0x1  }
0x306: {  	v4 =	vadd.s32 v2, v4;
	_ =	sdelay $0x2  }
0x307: {  	[tilespmem:s23], [sflag:$0x1] =	stream.indirect_vreg.gather [hbm4b:s1+s3], $0x80, v5, vm0, $0xb8;
	[tilespmem:$0x8080] =	vst v63  }
0x308: {  	_ = 	snop  }
0x309: {  	[tilespmem:s24], [sflag:$0x1] =	stream.indirect_vreg.gather [hbm4b:s1+s3], $0x80, v4, vm0, $0xb8;
	[tilespmem:$0x8080] =	vst v63  }
0x30a: {  	v4 =	vld [tilespmem:$0x50];
	_ =	sdelay $0x4  }
0x30b: {  	v5 =	vshll.u32 v4, $0x1  }
0x30c: {  	v4 =	vand.u32 $0x7, v4;
	v5 =	vand.u32 $0xFFFFFFF0, v5  }
0x30d: {  	v4 =	vor.u32 v4, v5  }
0x30e: {  	v5 =	vperm.xlane v4, v1;
	_ =	sdelay $0x1  }
0x30f: {  	v4 =	vperm.xlane v4, v3;
	v5 =	vadd.s32 v2, v5;
	_ =	sdelay $0x1  }
0x310: {  	v4 =	vadd.s32 v2, v4;
	_ =	sdelay $0x2  }
0x311: {  	[tilespmem:s25], [sflag:$0x1] =	stream.indirect_vreg.gather [hbm4b:s1+s3], $0x80, v5, vm0, $0xb8;
	[tilespmem:$0x8080] =	vst v63  }
0x312: {  	_ = 	snop  }
0x313: {  	[tilespmem:s26], [sflag:$0x1] =	stream.indirect_vreg.gather [hbm4b:s1+s3], $0x80, v4, vm0, $0xb8;
	[tilespmem:$0x8080] =	vst v63  }
0x314: {  	v4 =	vld [tilespmem:$0x60];
	_ =	sdelay $0x4  }
0x315: {  	v5 =	vshll.u32 v4, $0x1  }
0x316: {  	v4 =	vand.u32 $0x7, v4;
	v5 =	vand.u32 $0xFFFFFFF0, v5  }
0x317: {  	v4 =	vor.u32 v4, v5  }
0x318: {  	v5 =	vperm.xlane v4, v1;
	_ =	sdelay $0x1  }
0x319: {  	v4 =	vperm.xlane v4, v3;
	v5 =	vadd.s32 v2, v5;
	_ =	sdelay $0x1  }
0x31a: {  	v4 =	vadd.s32 v2, v4;
	_ =	sdelay $0x2  }
0x31b: {  	[tilespmem:s28], [sflag:$0x1] =	stream.indirect_vreg.gather [hbm4b:s1+s3], $0x80, v5, vm0, $0xb8;
	[tilespmem:$0x8080] =	vst v63  }
0x31c: {  	_ = 	snop  }
0x31d: {  	[tilespmem:s29], [sflag:$0x1] =	stream.indirect_vreg.gather [hbm4b:s1+s3], $0x80, v4, vm0, $0xb8;
	[tilespmem:$0x8080] =	vst v63  }
0x31e: {  	v4 =	vld [tilespmem:$0x70];
	_ =	sdelay $0x4  }
0x31f: {  	v5 =	vshll.u32 v4, $0x1  }
0x320: {  	v4 =	vand.u32 $0x7, v4;
	v5 =	vand.u32 $0xFFFFFFF0, v5  }
0x321: {  	v4 =	vor.u32 v4, v5  }
0x322: {  	v5 =	vperm.xlane v4, v1;
	_ =	sdelay $0x1  }
0x323: {  	v4 =	vperm.xlane v4, v3;
	v5 =	vadd.s32 v2, v5;
	_ =	sdelay $0x1  }
0x324: {  	v4 =	vadd.s32 v2, v4;
	_ =	sdelay $0x2  }
0x325: {  	[tilespmem:s30], [sflag:$0x1] =	stream.indirect_vreg.gather [hbm4b:s1+s3], $0x80, v5, vm0, $0xb8;
	[tilespmem:$0x8080] =	vst v63  }
0x326: {  	_ = 	snop  }
0x327: {  	[tilespmem:s31], [sflag:$0x1] =	stream.indirect_vreg.gather [hbm4b:s1+s3], $0x80, v4, vm0, $0xb8;
	[tilespmem:$0x8080] =	vst v63  }
0x328: {  	_ =	swait.ge [sflag:s0], $0x8000  }
0x329: {  	p0 =	sne.s32 s13, $0x1;
	[sflag:s0] =	ssyncset.done $0x0  }
.Ltmp0:
0x32a: {  	[sflag:s0] =	ssyncadd.s32 $0xFFFF8000;
	(pc) =	sbr.rel @p0 .LBB2_1-.Ltmp0, $4  }
0x32b: {  	[hbm4b:s12+s3] =	stream.linear.scatter [tilespmem:s15], [sflag:$0x2], $0x8000, $0x38;
	[tilespmem:$0x8080] =	vst v63  }
0x32c: {  	_ =	swait.ge [sflag:s14], $0x8000  }
0x32d: {  	[sflag:s14] =	ssyncset.done $0x0  }
0x32e: {  	s13 =	sadd.s32 $0xFFFFFFFF, s13;
	[sflag:s14] =	ssyncadd.s32 $0xFFFF8000  }
0x32f: {  	_ =	sfence.sel $0x180000  }
0x330: {  	[bflag:$0x0] =	sbarrier.arrive $0xFFFF  }
0x331: {  	_ =	strace $0x90000047  }
0x332: {  	s0 =	stileid.u32;
	[bflag:$0x2] =	sbarrier.arrive $0xFFFF  }
0x333: {  	p0 =	sne.s32 s0, $0x0;
	s0 =	rddreg [dreg:$0x3]  }
0x334: {  	s0 =	sadd.s32 @!p0 $0x100000, s0  }
0x335: {  	[sflag:s0] =	ssyncadd.tile.s32 @!p0 $0x1;
	_ =	shalt  }
.Lfunc_end2:
_tile_overlayer_lowered:
.L_overlay_start_2:
0x336: {  	(tag) =	ssettag $0x2  }
0x337: {  	s0 =	rddreg [dreg:$0x0];
	s2 =	stileid.u32  }
0x338: {  	s1 =	rddreg [dreg:$0x1];
	p0 =	sne.s32 s2, $0x0  }
0x339: {  	s3 =	rddreg [dreg:$0x2];
	[bflag:$0x3] =	sbarrier.arrive $0xFFFF;
	s2 =	simm.s32 @!p0 $0x1C02  }
0x33a: {  	[timem:s3], [sflag:s2] =	dma.local @!p0 [hbm:s0], s1  }
0x33b: {  	s0 =	simm.s32 @!p0 $0x2  }
0x33c: {  	_ =	swait.ge @!p0 [sflag:s0], s1  }
0x33d: {  	s1 =	ssub.s32 @!p0 $0x0, s1;
	[sflag:s0] =	ssyncset.done @!p0 $0x0  }
0x33e: {  	[sflag:s0] =	ssyncadd.s32 @!p0 s1  }
0x33f: {  	[bflag:$0x3] =	sbarrier.arrive $0xFFFF  }
0x340: {  	_ =	shalt  }

</sc_bundles>
